<compile_context>
chip_gen: v7x
topology: tpu7x:2x2x1
jax: 0.10.2.dev20260603
libtpu: 0.0.44.dev20260713+nightly
codegen_flags: <defaults>
</compile_context>

<pallas_src>
import jax
import jax.numpy as jnp
from jax import lax
from jax.experimental import pallas as pl
from jax.experimental.pallas import tpu as pltpu

N = 10000
E = 320000
D = 128
G = 128
FOUT = 128

NP = 10240

_f32 = jnp.float32
_i32 = jnp.int32


def _make_sage(relu):
  BR = 256
  NBR = NP // BR

  def body(a_ref, hf_ref, x_ref, wl_ref, wr_ref, b_ref, o_ref):
    a = a_ref[...]
    agg = jnp.dot(a, hf_ref[...], preferred_element_type=_f32)
    deg = jnp.sum(a, axis=1, keepdims=True)
    inv = 1.0 / jnp.maximum(deg, 1.0)
    m = agg * inv
    h = (jnp.dot(m, wl_ref[...], preferred_element_type=_f32)
         + jnp.dot(x_ref[...], wr_ref[...], preferred_element_type=_f32)
         + b_ref[...])
    o_ref[...] = jnp.maximum(h, 0.0) if relu else h

  return pl.pallas_call(
      body,
      grid=(NBR,),
      in_specs=[
          pl.BlockSpec((BR, NP), lambda i: (i, 0)),
          pl.BlockSpec((NP, D), lambda i: (0, 0)),
          pl.BlockSpec((BR, D), lambda i: (i, 0)),
          pl.BlockSpec((D, D), lambda i: (0, 0)),
          pl.BlockSpec((D, D), lambda i: (0, 0)),
          pl.BlockSpec((1, D), lambda i: (0, 0)),
      ],
      out_specs=pl.BlockSpec((BR, D), lambda i: (i, 0)),
      out_shape=jax.ShapeDtypeStruct((NP, D), _f32),
  )


_sage_relu = _make_sage(True)
_sage = _make_sage(False)

_PB = 320
_PNB = NP // _PB


def _pool_body(bv_ref, bs_ref, h_ref, wlin_ref, blin_ref, o_ref,
               max_s, sum_s, cnt_s):
  i = pl.program_id(0)

  @pl.when(i == 0)
  def _init():
    max_s[...] = jnp.full((G, D), -jnp.inf, _f32)
    sum_s[...] = jnp.zeros((G, D), _f32)
    cnt_s[...] = jnp.zeros((G, D), _f32)

  bcol = bv_ref[0]
  h = h_ref[...]
  seg_iota = lax.broadcasted_iota(_i32, (_PB, G), 1)
  onehot = (bcol == seg_iota).astype(_f32)
  dn = (((0,), (0,)), ((), ()))
  sum_s[...] += lax.dot_general(onehot, h, dn, preferred_element_type=_f32)
  cnt_s[...] += lax.dot_general(onehot, jnp.ones((_PB, D), _f32), dn,
                                preferred_element_type=_f32)

  lo = jnp.minimum(bs_ref[0, 0, 0], G - 1)
  hi = jnp.minimum(bs_ref[0, 0, _PB - 1], G - 1)

  def seg_body(g, _):
    mask = bcol == g
    cur = jnp.max(jnp.where(mask, h, -jnp.inf), axis=0, keepdims=True)
    max_s[pl.ds(g, 1), :] = jnp.maximum(max_s[pl.ds(g, 1), :], cur)
    return 0
  lax.fori_loop(lo, hi + 1, seg_body, 0)

  @pl.when(i == _PNB - 1)
  def _fin():
    mean = sum_s[...] / jnp.maximum(cnt_s[...], 1.0)
    o_ref[...] = (
        jnp.dot(max_s[...], wlin_ref[0:D, :], preferred_element_type=_f32)
        + jnp.dot(mean, wlin_ref[D:2 * D, :], preferred_element_type=_f32)
        + blin_ref[...])


_pool = pl.pallas_call(
    _pool_body,
    grid=(_PNB,),
    in_specs=[
        pl.BlockSpec((1, _PB, 1), lambda i: (i, 0, 0)),
        pl.BlockSpec((1, 1, _PB), lambda i: (i, 0, 0),
                     memory_space=pltpu.SMEM),
        pl.BlockSpec((_PB, D), lambda i: (i, 0)),
        pl.BlockSpec((2 * D, FOUT), lambda i: (0, 0)),
        pl.BlockSpec((1, FOUT), lambda i: (0, 0)),
    ],
    out_specs=pl.BlockSpec((G, FOUT), lambda i: (0, 0)),
    out_shape=jax.ShapeDtypeStruct((G, FOUT), _f32),
    scratch_shapes=[
        pltpu.VMEM((G, D), _f32),
        pltpu.VMEM((G, D), _f32),
        pltpu.VMEM((G, D), _f32),
    ],
)


def kernel(x, edge_index, batch, W1l, b1, W1r, W2l, b2, W2r, W3l, b3, W3r,
           Wlin, blin):
  src = edge_index[0]
  dst = edge_index[1]
  flat = dst.astype(_i32) * NP + src.astype(_i32)
  A = jnp.zeros((NP * NP,), _f32).at[flat].add(1.0).reshape(NP, NP)
  xp = jnp.concatenate([x, jnp.zeros((NP - N, D), _f32)], axis=0)
  batch_pad = jnp.concatenate(
      [batch, jnp.full((NP - N,), G, _i32)], axis=0)

  h = _sage_relu(A, xp, xp, W1l.T, W1r.T, b1.reshape(1, D))
  h = _sage_relu(A, h, h, W2l.T, W2r.T, b2.reshape(1, D))
  h = _sage(A, h, h, W3l.T, W3r.T, b3.reshape(1, D))

  return _pool(batch_pad.reshape(_PNB, _PB, 1),
               batch_pad.reshape(_PNB, 1, _PB),
               h, Wlin.T, blin.reshape(1, FOUT))

# --- scband reference (transcript-rebuilt; emitter-appended) ---
"""Pipeline reference for scband-gcn-67886253081375 (READ-ONLY COPY).

The authoritative reference and input builder live on the scoring server;
editing this copy changes nothing except your own understanding.
"""

import jax, jax.numpy as jnp
import numpy as np

N = 10000
E = 320000
D = 128
H = 128
F_OUT = 128
G = 128


def sage_conv(x, edge_index, Wl, bl, Wr):
    # PyG SAGEConv with mean aggregation: lin_l(mean_{j in N(i)} x_j) + lin_r(x_i)
    src = edge_index[0]
    dst = edge_index[1]
    msg = x[src]
    agg = jax.ops.segment_sum(msg, dst, num_segments=x.shape[0])
    deg = jax.ops.segment_sum(jnp.ones((edge_index.shape[1],), x.dtype), dst, num_segments=x.shape[0])
    mean = agg / jnp.clip(deg, 1.0)[:, None]
    return mean @ Wl.T + bl + x @ Wr.T


def setup_inputs(seed: int = 0):
    key = jax.random.key(seed)
    ks = jax.random.split(key, 16)
    x = jax.random.normal(ks[0], (N, D), jnp.float32)
    edge_index = jax.random.randint(ks[1], (2, E), 0, N, jnp.int32)
    batch = jnp.sort(jax.random.randint(ks[2], (N,), 0, G, jnp.int32))
    s = 1.0 / np.sqrt(D)
    sh = 1.0 / np.sqrt(H)
    W1l = jax.random.normal(ks[3], (H, D), jnp.float32) * s
    b1 = jnp.zeros((H,), jnp.float32)
    W1r = jax.random.normal(ks[4], (H, D), jnp.float32) * s
    W2l = jax.random.normal(ks[5], (H, H), jnp.float32) * sh
    b2 = jnp.zeros((H,), jnp.float32)
    W2r = jax.random.normal(ks[6], (H, H), jnp.float32) * sh
    W3l = jax.random.normal(ks[7], (H, H), jnp.float32) * sh
    b3 = jnp.zeros((H,), jnp.float32)
    W3r = jax.random.normal(ks[8], (H, H), jnp.float32) * sh
    Wlin = jax.random.normal(ks[9], (F_OUT, 2 * H), jnp.float32) * (1.0 / np.sqrt(2 * H))
    blin = jnp.zeros((F_OUT,), jnp.float32)
    return {"x": x, "edge_index": edge_index, "batch": batch,
            "W1l": W1l, "b1": b1, "W1r": W1r,
            "W2l": W2l, "b2": b2, "W2r": W2r,
            "W3l": W3l, "b3": b3, "W3r": W3r,
            "Wlin": Wlin, "blin": blin}


def reference(x, edge_index, batch, W1l, b1, W1r, W2l, b2, W2r, W3l, b3, W3r, Wlin, blin):
    h = jax.nn.relu(sage_conv(x, edge_index, W1l, b1, W1r))
    h = jax.nn.relu(sage_conv(h, edge_index, W2l, b2, W2r))
    h = sage_conv(h, edge_index, W3l, b3, W3r)
    x_max = jax.ops.segment_max(h, batch, num_segments=G)
    cnt = jax.ops.segment_sum(jnp.ones((h.shape[0],), h.dtype), batch, num_segments=G)
    x_mean = jax.ops.segment_sum(h, batch, num_segments=G) / jnp.clip(cnt, 1.0)[:, None]
    z = jnp.concatenate([x_max, x_mean], axis=1)
    # dropout p=0.5 is identity in eval mode
    return z @ Wlin.T + blin

if __name__ == "__main__":
    import jax
    _d = setup_inputs()
    print(jax.jit(kernel)(*tuple(_d.values())))

</pallas_src>

<mosaic_0001>
module attributes {stable_mosaic.version = 14 : i64} {
  func.func @body(%arg0: i32, %arg1: memref<256x10240xf32, #tpu.memory_space<vmem>>, %arg2: memref<10240x128xf32, #tpu.memory_space<vmem>>, %arg3: memref<256x128xf32, #tpu.memory_space<vmem>>, %arg4: memref<128x128xf32, #tpu.memory_space<vmem>>, %arg5: memref<128x128xf32, #tpu.memory_space<vmem>>, %arg6: memref<1x128xf32, #tpu.memory_space<vmem>>, %arg7: memref<256x128xf32, #tpu.memory_space<vmem>>) attributes {dimension_semantics = [#tpu.dimension_semantics<arbitrary>], iteration_bounds = array<i64: 40>, scalar_prefetch = 0 : i64, scratch_operands = 0 : i64, tpu.core_type = #tpu.core_type<tc>, window_params = [{transform_indices = @transform_0, window_bounds = array<i64: 256, 10240>}, {pipeline_mode = #tpu.pipeline_mode<synchronous>, transform_indices = @transform_1, window_bounds = array<i64: 10240, 128>}, {transform_indices = @transform_2, window_bounds = array<i64: 256, 128>}, {pipeline_mode = #tpu.pipeline_mode<synchronous>, transform_indices = @transform_3, window_bounds = array<i64: 128, 128>}, {pipeline_mode = #tpu.pipeline_mode<synchronous>, transform_indices = @transform_4, window_bounds = array<i64: 128, 128>}, {pipeline_mode = #tpu.pipeline_mode<synchronous>, transform_indices = @transform_5, window_bounds = array<i64: 1, 128>}, {transform_indices = @transform_6, window_bounds = array<i64: 256, 128>}]} {
    %get3A = arith.constant 0 : index
    %get3A_0 = arith.constant 0 : index
    %get3A_1 = vector.load %arg1[%get3A, %get3A_0] : memref<256x10240xf32, #tpu.memory_space<vmem>>, vector<256x10240xf32>
    %get3A_2 = arith.constant 0 : index
    %get3A_3 = arith.constant 0 : index
    %get3A_4 = vector.load %arg2[%get3A_2, %get3A_3] : memref<10240x128xf32, #tpu.memory_space<vmem>>, vector<10240x128xf32>
    %dot_general3A = arith.constant dense<0.000000e+00> : vector<256x128xf32>
    %dot_general3A_5 = tpu.matmul %get3A_1, %get3A_4, %dot_general3A {dimension_numbers = #tpu.dot_dimension_numbers<[1], [0], [0], [1], [0, 0, 1, 1], [], []>, transpose_lhs_hint = false} : vector<256x10240xf32>, vector<10240x128xf32>, vector<256x128xf32> -> vector<256x128xf32>
    %reduce_sum3A = arith.constant dense<0.000000e+00> : vector<256xf32>
    %reduce_sum3A_6 = vector.multi_reduction <add>, %get3A_1, %reduce_sum3A [1] : vector<256x10240xf32> to vector<256xf32>
    %broadcast_in_dim3A = vector.shape_cast %reduce_sum3A_6 : vector<256xf32> to vector<256x1xf32>
    %max3A = arith.constant 1.000000e+00 : f32
    %max3A_7 = vector.broadcast %max3A : f32 to vector<256x1xf32>
    %max3A_8 = arith.maximumf %broadcast_in_dim3A, %max3A_7 : vector<256x1xf32>
    %div3A = arith.constant 1.000000e+00 : f32
    %div3A_9 = vector.broadcast %div3A : f32 to vector<256x1xf32>
    %div3A_10 = arith.divf %div3A_9, %max3A_8 : vector<256x1xf32>
    %mul3A = vector.broadcast %div3A_10 : vector<256x1xf32> to vector<256x128xf32>
    %mul3A_11 = arith.mulf %dot_general3A_5, %mul3A : vector<256x128xf32>
    %get3A_12 = arith.constant 0 : index
    %get3A_13 = arith.constant 0 : index
    %get3A_14 = vector.load %arg4[%get3A_12, %get3A_13] : memref<128x128xf32, #tpu.memory_space<vmem>>, vector<128x128xf32>
    %dot_general3A_15 = arith.constant dense<0.000000e+00> : vector<256x128xf32>
    %dot_general3A_16 = tpu.matmul %mul3A_11, %get3A_14, %dot_general3A_15 {dimension_numbers = #tpu.dot_dimension_numbers<[1], [0], [0], [1], [0, 0, 1, 1], [], []>, transpose_lhs_hint = false} : vector<256x128xf32>, vector<128x128xf32>, vector<256x128xf32> -> vector<256x128xf32>
    %get3A_17 = arith.constant 0 : index
    %get3A_18 = arith.constant 0 : index
    %get3A_19 = vector.load %arg3[%get3A_17, %get3A_18] : memref<256x128xf32, #tpu.memory_space<vmem>>, vector<256x128xf32>
    %get3A_20 = arith.constant 0 : index
    %get3A_21 = arith.constant 0 : index
    %get3A_22 = vector.load %arg5[%get3A_20, %get3A_21] : memref<128x128xf32, #tpu.memory_space<vmem>>, vector<128x128xf32>
    %dot_general3A_23 = arith.constant dense<0.000000e+00> : vector<256x128xf32>
    %dot_general3A_24 = tpu.matmul %get3A_19, %get3A_22, %dot_general3A_23 {dimension_numbers = #tpu.dot_dimension_numbers<[1], [0], [0], [1], [0, 0, 1, 1], [], []>, transpose_lhs_hint = false} : vector<256x128xf32>, vector<128x128xf32>, vector<256x128xf32> -> vector<256x128xf32>
    %add3A = arith.addf %dot_general3A_16, %dot_general3A_24 : vector<256x128xf32>
    %get3A_25 = arith.constant 0 : index
    %get3A_26 = arith.constant 0 : index
    %get3A_27 = vector.load %arg6[%get3A_25, %get3A_26] : memref<1x128xf32, #tpu.memory_space<vmem>>, vector<1x128xf32>
    %add3A_28 = vector.broadcast %get3A_27 : vector<1x128xf32> to vector<256x128xf32>
    %add3A_29 = arith.addf %add3A, %add3A_28 : vector<256x128xf32>
    %max3A_30 = arith.constant 0.000000e+00 : f32
    %max3A_31 = vector.broadcast %max3A_30 : f32 to vector<256x128xf32>
    %max3A_32 = arith.maximumf %add3A_29, %max3A_31 : vector<256x128xf32>
    %swap3A = arith.constant 0 : index
    %swap3A_33 = arith.constant 0 : index
    %swap3A_34 = vector.load %arg7[%swap3A, %swap3A_33] : memref<256x128xf32, #tpu.memory_space<vmem>>, vector<256x128xf32>
    tpu.vector_store %arg7[%swap3A, %swap3A_33], %max3A_32 {strides = array<i32>} : memref<256x128xf32, #tpu.memory_space<vmem>>, vector<256x128xf32>,
    return
  }
  func.func @transform_0(%arg0: i32) -> (i32, i32) {
    %c0_i32 = arith.constant 0 : i32
    %c0_i32_0 = arith.constant 0 : i32
    return %arg0, %c0_i32 : i32, i32
  }
  func.func @transform_1(%arg0: i32) -> (i32, i32) {
    %c0_i32 = arith.constant 0 : i32
    %c0_i32_0 = arith.constant 0 : i32
    %c0_i32_1 = arith.constant 0 : i32
    return %c0_i32, %c0_i32_0 : i32, i32
  }
  func.func @transform_2(%arg0: i32) -> (i32, i32) {
    %c0_i32 = arith.constant 0 : i32
    %c0_i32_0 = arith.constant 0 : i32
    return %arg0, %c0_i32 : i32, i32
  }
  func.func @transform_3(%arg0: i32) -> (i32, i32) {
    %c0_i32 = arith.constant 0 : i32
    %c0_i32_0 = arith.constant 0 : i32
    %c0_i32_1 = arith.constant 0 : i32
    return %c0_i32, %c0_i32_0 : i32, i32
  }
  func.func @transform_4(%arg0: i32) -> (i32, i32) {
    %c0_i32 = arith.constant 0 : i32
    %c0_i32_0 = arith.constant 0 : i32
    %c0_i32_1 = arith.constant 0 : i32
    return %c0_i32, %c0_i32_0 : i32, i32
  }
  func.func @transform_5(%arg0: i32) -> (i32, i32) {
    %c0_i32 = arith.constant 0 : i32
    %c0_i32_0 = arith.constant 0 : i32
    %c0_i32_1 = arith.constant 0 : i32
    return %c0_i32, %c0_i32_0 : i32, i32
  }
  func.func @transform_6(%arg0: i32) -> (i32, i32) {
    %c0_i32 = arith.constant 0 : i32
    %c0_i32_0 = arith.constant 0 : i32
    return %arg0, %c0_i32 : i32, i32
  }
}

module attributes {stable_mosaic.version = 14 : i64} {
  func.func @body(%arg0: i32, %arg1: memref<256x10240xf32, #tpu.memory_space<vmem>>, %arg2: memref<10240x128xf32, #tpu.memory_space<vmem>>, %arg3: memref<256x128xf32, #tpu.memory_space<vmem>>, %arg4: memref<128x128xf32, #tpu.memory_space<vmem>>, %arg5: memref<128x128xf32, #tpu.memory_space<vmem>>, %arg6: memref<1x128xf32, #tpu.memory_space<vmem>>, %arg7: memref<256x128xf32, #tpu.memory_space<vmem>>) attributes {dimension_semantics = [#tpu.dimension_semantics<arbitrary>], iteration_bounds = array<i64: 40>, scalar_prefetch = 0 : i64, scratch_operands = 0 : i64, tpu.core_type = #tpu.core_type<tc>, window_params = [{transform_indices = @transform_0, window_bounds = array<i64: 256, 10240>}, {pipeline_mode = #tpu.pipeline_mode<synchronous>, transform_indices = @transform_1, window_bounds = array<i64: 10240, 128>}, {transform_indices = @transform_2, window_bounds = array<i64: 256, 128>}, {pipeline_mode = #tpu.pipeline_mode<synchronous>, transform_indices = @transform_3, window_bounds = array<i64: 128, 128>}, {pipeline_mode = #tpu.pipeline_mode<synchronous>, transform_indices = @transform_4, window_bounds = array<i64: 128, 128>}, {pipeline_mode = #tpu.pipeline_mode<synchronous>, transform_indices = @transform_5, window_bounds = array<i64: 1, 128>}, {transform_indices = @transform_6, window_bounds = array<i64: 256, 128>}]} {
    %get3A = arith.constant 0 : index
    %get3A_0 = arith.constant 0 : index
    %get3A_1 = vector.load %arg1[%get3A, %get3A_0] : memref<256x10240xf32, #tpu.memory_space<vmem>>, vector<256x10240xf32>
    %get3A_2 = arith.constant 0 : index
    %get3A_3 = arith.constant 0 : index
    %get3A_4 = vector.load %arg2[%get3A_2, %get3A_3] : memref<10240x128xf32, #tpu.memory_space<vmem>>, vector<10240x128xf32>
    %dot_general3A = arith.constant dense<0.000000e+00> : vector<256x128xf32>
    %dot_general3A_5 = tpu.matmul %get3A_1, %get3A_4, %dot_general3A {dimension_numbers = #tpu.dot_dimension_numbers<[1], [0], [0], [1], [0, 0, 1, 1], [], []>, transpose_lhs_hint = false} : vector<256x10240xf32>, vector<10240x128xf32>, vector<256x128xf32> -> vector<256x128xf32>
    %reduce_sum3A = arith.constant dense<0.000000e+00> : vector<256xf32>
    %reduce_sum3A_6 = vector.multi_reduction <add>, %get3A_1, %reduce_sum3A [1] : vector<256x10240xf32> to vector<256xf32>
    %broadcast_in_dim3A = vector.shape_cast %reduce_sum3A_6 : vector<256xf32> to vector<256x1xf32>
    %max3A = arith.constant 1.000000e+00 : f32
    %max3A_7 = vector.broadcast %max3A : f32 to vector<256x1xf32>
    %max3A_8 = arith.maximumf %broadcast_in_dim3A, %max3A_7 : vector<256x1xf32>
    %div3A = arith.constant 1.000000e+00 : f32
    %div3A_9 = vector.broadcast %div3A : f32 to vector<256x1xf32>
    %div3A_10 = arith.divf %div3A_9, %max3A_8 : vector<256x1xf32>
    %mul3A = vector.broadcast %div3A_10 : vector<256x1xf32> to vector<256x128xf32>
    %mul3A_11 = arith.mulf %dot_general3A_5, %mul3A : vector<256x128xf32>
    %get3A_12 = arith.constant 0 : index
    %get3A_13 = arith.constant 0 : index
    %get3A_14 = vector.load %arg4[%get3A_12, %get3A_13] : memref<128x128xf32, #tpu.memory_space<vmem>>, vector<128x128xf32>
    %dot_general3A_15 = arith.constant dense<0.000000e+00> : vector<256x128xf32>
    %dot_general3A_16 = tpu.matmul %mul3A_11, %get3A_14, %dot_general3A_15 {dimension_numbers = #tpu.dot_dimension_numbers<[1], [0], [0], [1], [0, 0, 1, 1], [], []>, transpose_lhs_hint = false} : vector<256x128xf32>, vector<128x128xf32>, vector<256x128xf32> -> vector<256x128xf32>
    %get3A_17 = arith.constant 0 : index
    %get3A_18 = arith.constant 0 : index
    %get3A_19 = vector.load %arg3[%get3A_17, %get3A_18] : memref<256x128xf32, #tpu.memory_space<vmem>>, vector<256x128xf32>
    %get3A_20 = arith.constant 0 : index
    %get3A_21 = arith.constant 0 : index
    %get3A_22 = vector.load %arg5[%get3A_20, %get3A_21] : memref<128x128xf32, #tpu.memory_space<vmem>>, vector<128x128xf32>
    %dot_general3A_23 = arith.constant dense<0.000000e+00> : vector<256x128xf32>
    %dot_general3A_24 = tpu.matmul %get3A_19, %get3A_22, %dot_general3A_23 {dimension_numbers = #tpu.dot_dimension_numbers<[1], [0], [0], [1], [0, 0, 1, 1], [], []>, transpose_lhs_hint = false} : vector<256x128xf32>, vector<128x128xf32>, vector<256x128xf32> -> vector<256x128xf32>
    %add3A = arith.addf %dot_general3A_16, %dot_general3A_24 : vector<256x128xf32>
    %get3A_25 = arith.constant 0 : index
    %get3A_26 = arith.constant 0 : index
    %get3A_27 = vector.load %arg6[%get3A_25, %get3A_26] : memref<1x128xf32, #tpu.memory_space<vmem>>, vector<1x128xf32>
    %add3A_28 = vector.broadcast %get3A_27 : vector<1x128xf32> to vector<256x128xf32>
    %add3A_29 = arith.addf %add3A, %add3A_28 : vector<256x128xf32>
    %swap3A = arith.constant 0 : index
    %swap3A_30 = arith.constant 0 : index
    %swap3A_31 = vector.load %arg7[%swap3A, %swap3A_30] : memref<256x128xf32, #tpu.memory_space<vmem>>, vector<256x128xf32>
    tpu.vector_store %arg7[%swap3A, %swap3A_30], %add3A_29 {strides = array<i32>} : memref<256x128xf32, #tpu.memory_space<vmem>>, vector<256x128xf32>,
    return
  }
  func.func @transform_0(%arg0: i32) -> (i32, i32) {
    %c0_i32 = arith.constant 0 : i32
    %c0_i32_0 = arith.constant 0 : i32
    return %arg0, %c0_i32 : i32, i32
  }
  func.func @transform_1(%arg0: i32) -> (i32, i32) {
    %c0_i32 = arith.constant 0 : i32
    %c0_i32_0 = arith.constant 0 : i32
    %c0_i32_1 = arith.constant 0 : i32
    return %c0_i32, %c0_i32_0 : i32, i32
  }
  func.func @transform_2(%arg0: i32) -> (i32, i32) {
    %c0_i32 = arith.constant 0 : i32
    %c0_i32_0 = arith.constant 0 : i32
    return %arg0, %c0_i32 : i32, i32
  }
  func.func @transform_3(%arg0: i32) -> (i32, i32) {
    %c0_i32 = arith.constant 0 : i32
    %c0_i32_0 = arith.constant 0 : i32
    %c0_i32_1 = arith.constant 0 : i32
    return %c0_i32, %c0_i32_0 : i32, i32
  }
  func.func @transform_4(%arg0: i32) -> (i32, i32) {
    %c0_i32 = arith.constant 0 : i32
    %c0_i32_0 = arith.constant 0 : i32
    %c0_i32_1 = arith.constant 0 : i32
    return %c0_i32, %c0_i32_0 : i32, i32
  }
  func.func @transform_5(%arg0: i32) -> (i32, i32) {
    %c0_i32 = arith.constant 0 : i32
    %c0_i32_0 = arith.constant 0 : i32
    %c0_i32_1 = arith.constant 0 : i32
    return %c0_i32, %c0_i32_0 : i32, i32
  }
  func.func @transform_6(%arg0: i32) -> (i32, i32) {
    %c0_i32 = arith.constant 0 : i32
    %c0_i32_0 = arith.constant 0 : i32
    return %arg0, %c0_i32 : i32, i32
  }
}

module attributes {stable_mosaic.version = 14 : i64} {
  func.func @_pool_body(%arg0: i32, %arg1: memref<1x320x1xi32, #tpu.memory_space<vmem>>, %arg2: memref<1x1x320xi32, #tpu.memory_space<smem>>, %arg3: memref<320x128xf32, #tpu.memory_space<vmem>>, %arg4: memref<256x128xf32, #tpu.memory_space<vmem>>, %arg5: memref<1x128xf32, #tpu.memory_space<vmem>>, %arg6: memref<128x128xf32, #tpu.memory_space<vmem>>, %arg7: memref<128x128xf32, #tpu.memory_space<vmem>>, %arg8: memref<128x128xf32, #tpu.memory_space<vmem>>, %arg9: memref<128x128xf32, #tpu.memory_space<vmem>>) attributes {dimension_semantics = [#tpu.dimension_semantics<arbitrary>], iteration_bounds = array<i64: 32>, scalar_prefetch = 0 : i64, scratch_operands = 3 : i64, tpu.core_type = #tpu.core_type<tc>, window_params = [{transform_indices = @transform_0, window_bounds = array<i64: 1, 320, 1>}, {transform_indices = @transform_1, window_bounds = array<i64: 1, 1, 320>}, {transform_indices = @transform_2, window_bounds = array<i64: 320, 128>}, {pipeline_mode = #tpu.pipeline_mode<synchronous>, transform_indices = @transform_3, window_bounds = array<i64: 256, 128>}, {pipeline_mode = #tpu.pipeline_mode<synchronous>, transform_indices = @transform_4, window_bounds = array<i64: 1, 128>}, {pipeline_mode = #tpu.pipeline_mode<synchronous>, transform_indices = @transform_5, window_bounds = array<i64: 128, 128>}]} {
    %eq3A = arith.constant 0 : i32
    %eq3A_0 = arith.cmpi eq, %arg0, %eq3A : i32
    %convert_element_type3A = arith.extui %eq3A_0 : i1 to i32
    %cond3A = arith.constant 0 : i32
    %cond3A_1 = arith.cmpi ne, %convert_element_type3A, %cond3A : i32
    scf.if %cond3A_1 {
      %broadcast_in_dim3A_57 = arith.constant 0xFF800000 : f32
      %broadcast_in_dim3A_58 = vector.broadcast %broadcast_in_dim3A_57 : f32 to vector<128x128xf32>
      %swap3A_59 = arith.constant 0 : index
      %swap3A_60 = arith.constant 0 : index
      %swap3A_61 = vector.load %arg7[%swap3A_59, %swap3A_60] : memref<128x128xf32, #tpu.memory_space<vmem>>, vector<128x128xf32>
      tpu.vector_store %arg7[%swap3A_59, %swap3A_60], %broadcast_in_dim3A_58 {strides = array<i32>} : memref<128x128xf32, #tpu.memory_space<vmem>>, vector<128x128xf32>,
      %broadcast_in_dim3A_62 = arith.constant 0.000000e+00 : f32
      %broadcast_in_dim3A_63 = vector.broadcast %broadcast_in_dim3A_62 : f32 to vector<128x128xf32>
      %swap3A_64 = arith.constant 0 : index
      %swap3A_65 = arith.constant 0 : index
      %swap3A_66 = vector.load %arg8[%swap3A_64, %swap3A_65] : memref<128x128xf32, #tpu.memory_space<vmem>>, vector<128x128xf32>
      tpu.vector_store %arg8[%swap3A_64, %swap3A_65], %broadcast_in_dim3A_63 {strides = array<i32>} : memref<128x128xf32, #tpu.memory_space<vmem>>, vector<128x128xf32>,
      %broadcast_in_dim3A_67 = arith.constant 0.000000e+00 : f32
      %broadcast_in_dim3A_68 = vector.broadcast %broadcast_in_dim3A_67 : f32 to vector<128x128xf32>
      %swap3A_69 = arith.constant 0 : index
      %swap3A_70 = arith.constant 0 : index
      %swap3A_71 = vector.load %arg9[%swap3A_69, %swap3A_70] : memref<128x128xf32, #tpu.memory_space<vmem>>, vector<128x128xf32>
      tpu.vector_store %arg9[%swap3A_69, %swap3A_70], %broadcast_in_dim3A_68 {strides = array<i32>} : memref<128x128xf32, #tpu.memory_space<vmem>>, vector<128x128xf32>,
    } else {
    }
    %get3A = arith.constant 0 : index
    %get3A_2 = arith.constant 0 : index
    %get3A_3 = arith.constant 0 : index
    %get3A_4 = vector.load %arg1[%get3A, %get3A_2, %get3A_3] : memref<1x320x1xi32, #tpu.memory_space<vmem>>, vector<1x320x1xi32>
    %get3A_5 = vector.shape_cast %get3A_4 : vector<1x320x1xi32> to vector<320x1xi32>
    %get3A_6 = arith.constant 0 : index
    %get3A_7 = arith.constant 0 : index
    %get3A_8 = vector.load %arg3[%get3A_6, %get3A_7] : memref<320x128xf32, #tpu.memory_space<vmem>>, vector<320x128xf32>
    %iota3A = tpu.iota {dimensions = array<i32: 1>} : vector<320x128xi32>
    %eq3A_9 = vector.broadcast %get3A_5 : vector<320x1xi32> to vector<320x128xi32>
    %eq3A_10 = arith.cmpi eq, %eq3A_9, %iota3A : vector<320x128xi32>
    %convert_element_type3A_11 = arith.extui %eq3A_10 : vector<320x128xi1> to vector<320x128xi32>
    %convert_element_type3A_12 = arith.sitofp %convert_element_type3A_11 : vector<320x128xi32> to vector<320x128xf32>
    %get3A_13 = arith.constant 0 : index
    %get3A_14 = arith.constant 0 : index
    %get3A_15 = vector.load %arg8[%get3A_13, %get3A_14] : memref<128x128xf32, #tpu.memory_space<vmem>>, vector<128x128xf32>
    %dot_general3A = arith.constant dense<0.000000e+00> : vector<128x128xf32>
    %dot_general3A_16 = tpu.matmul %convert_element_type3A_12, %get3A_8, %dot_general3A {dimension_numbers = #tpu.dot_dimension_numbers<[0], [0], [1], [1], [0, 1, 1, 1], [], []>, transpose_lhs_hint = false} : vector<320x128xf32>, vector<320x128xf32>, vector<128x128xf32> -> vector<128x128xf32>
    %add3A = arith.addf %get3A_15, %dot_general3A_16 : vector<128x128xf32>
    %swap3A = arith.constant 0 : index
    %swap3A_17 = arith.constant 0 : index
    %swap3A_18 = vector.load %arg8[%swap3A, %swap3A_17] : memref<128x128xf32, #tpu.memory_space<vmem>>, vector<128x128xf32>
    tpu.vector_store %arg8[%swap3A, %swap3A_17], %add3A {strides = array<i32>} : memref<128x128xf32, #tpu.memory_space<vmem>>, vector<128x128xf32>,
    %get3A_19 = arith.constant 0 : index
    %get3A_20 = arith.constant 0 : index
    %get3A_21 = vector.load %arg9[%get3A_19, %get3A_20] : memref<128x128xf32, #tpu.memory_space<vmem>>, vector<128x128xf32>
    %broadcast_in_dim3A = arith.constant 1.000000e+00 : f32
    %broadcast_in_dim3A_22 = vector.broadcast %broadcast_in_dim3A : f32 to vector<320x128xf32>
    %dot_general3A_23 = arith.constant dense<0.000000e+00> : vector<128x128xf32>
    %dot_general3A_24 = tpu.matmul %convert_element_type3A_12, %broadcast_in_dim3A_22, %dot_general3A_23 {dimension_numbers = #tpu.dot_dimension_numbers<[0], [0], [1], [1], [0, 1, 1, 1], [], []>, transpose_lhs_hint = false} : vector<320x128xf32>, vector<320x128xf32>, vector<128x128xf32> -> vector<128x128xf32>
    %add3A_25 = arith.addf %get3A_21, %dot_general3A_24 : vector<128x128xf32>
    %swap3A_26 = arith.constant 0 : index
    %swap3A_27 = arith.constant 0 : index
    %swap3A_28 = vector.load %arg9[%swap3A_26, %swap3A_27] : memref<128x128xf32, #tpu.memory_space<vmem>>, vector<128x128xf32>
    tpu.vector_store %arg9[%swap3A_26, %swap3A_27], %add3A_25 {strides = array<i32>} : memref<128x128xf32, #tpu.memory_space<vmem>>, vector<128x128xf32>,
    %get3A_29 = arith.constant 0 : index
    %get3A_30 = arith.constant 0 : index
    %get3A_31 = arith.constant 0 : index
    %get3A_32 = memref.load %arg2[%get3A_29, %get3A_30, %get3A_31] : memref<1x1x320xi32, #tpu.memory_space<smem>>
    %min3A = arith.constant 127 : i32
    %min3A_33 = arith.minsi %get3A_32, %min3A : i32
    %get3A_34 = arith.constant 0 : index
    %get3A_35 = arith.constant 0 : index
    %get3A_36 = arith.constant 319 : index
    %get3A_37 = memref.load %arg2[%get3A_34, %get3A_35, %get3A_36] : memref<1x1x320xi32, #tpu.memory_space<smem>>
    %min3A_38 = arith.constant 127 : i32
    %min3A_39 = arith.minsi %get3A_37, %min3A_38 : i32
    %add3A_40 = arith.constant 1 : i32
    %add3A_41 = arith.addi %min3A_39, %add3A_40 : i32
    %while3A = arith.constant 0 : i32
    %while3A_42 = arith.subi %add3A_41, %min3A_33 : i32
    %while3A_43 = arith.addi %min3A_33, %while3A_42 : i32
    %while3A_44 = arith.constant 1 : i32
    %while3A_45 = arith.divsi %while3A_42, %while3A_44 : i32
    %while3A_46 = arith.muli %while3A_45, %while3A_44 : i32
    %while3A_47 = arith.addi %min3A_33, %while3A_46 : i32
    %while3A_48 = arith.constant 1 : i32
    %while3A_49 = scf.for %while3A_57 = %min3A_33 to %while3A_47 step %while3A_48 iter_args(%while3A_58 = %while3A) -> (i32)  : i32 {
      %eq3A_59 = vector.broadcast %while3A_57 : i32 to vector<320x1xi32>
      %eq3A_60 = arith.cmpi eq, %get3A_5, %eq3A_59 : vector<320x1xi32>
      %jit3A = arith.constant 0xFF800000 : f32
      %broadcast_in_dim3A_61 = vector.shape_cast %eq3A_60 : vector<320x1xi1> to vector<320x1xi1>
      %broadcast_in_dim3A_62 = vector.broadcast %broadcast_in_dim3A_61 : vector<320x1xi1> to vector<320x128xi1>
      %broadcast_in_dim3A_63 = vector.broadcast %jit3A : f32 to vector<320x128xf32>
      %select_n3A = arith.select %broadcast_in_dim3A_62, %get3A_8, %broadcast_in_dim3A_63 : vector<320x128xi1>, vector<320x128xf32>
      %reduce_max3A = arith.constant dense<0xFF800000> : vector<128xf32>
      %reduce_max3A_64 = vector.multi_reduction <maximumf>, %select_n3A, %reduce_max3A [0] : vector<320x128xf32> to vector<128xf32>
      %broadcast_in_dim3A_65 = vector.shape_cast %reduce_max3A_64 : vector<128xf32> to vector<1x128xf32>
      %get3A_66 = arith.index_cast %while3A_57 : i32 to index
      %get3A_67 = arith.constant 0 : index
      %get3A_68 = vector.load %arg7[%get3A_66, %get3A_67] : memref<128x128xf32, #tpu.memory_space<vmem>>, vector<1x128xf32>
      %max3A = arith.maximumf %get3A_68, %broadcast_in_dim3A_65 : vector<1x128xf32>
      %swap3A_69 = arith.index_cast %while3A_57 : i32 to index
      %swap3A_70 = arith.constant 0 : index
      %swap3A_71 = vector.load %arg7[%swap3A_69, %swap3A_70] : memref<128x128xf32, #tpu.memory_space<vmem>>, vector<1x128xf32>
      tpu.vector_store %arg7[%swap3A_69, %swap3A_70], %max3A {strides = array<i32>} : memref<128x128xf32, #tpu.memory_space<vmem>>, vector<1x128xf32>,
      %while3A_72 = arith.constant 0 : i32
      scf.yield %while3A_72 : i32
    }
    %while3A_50 = arith.constant 1 : i32
    %while3A_51 = scf.for %while3A_57 = %while3A_47 to %while3A_43 step %while3A_50 iter_args(%while3A_58 = %while3A_49) -> (i32)  : i32 {
      %eq3A_59 = vector.broadcast %while3A_57 : i32 to vector<320x1xi32>
      %eq3A_60 = arith.cmpi eq, %get3A_5, %eq3A_59 : vector<320x1xi32>
      %jit3A = arith.constant 0xFF800000 : f32
      %broadcast_in_dim3A_61 = vector.shape_cast %eq3A_60 : vector<320x1xi1> to vector<320x1xi1>
      %broadcast_in_dim3A_62 = vector.broadcast %broadcast_in_dim3A_61 : vector<320x1xi1> to vector<320x128xi1>
      %broadcast_in_dim3A_63 = vector.broadcast %jit3A : f32 to vector<320x128xf32>
      %select_n3A = arith.select %broadcast_in_dim3A_62, %get3A_8, %broadcast_in_dim3A_63 : vector<320x128xi1>, vector<320x128xf32>
      %reduce_max3A = arith.constant dense<0xFF800000> : vector<128xf32>
      %reduce_max3A_64 = vector.multi_reduction <maximumf>, %select_n3A, %reduce_max3A [0] : vector<320x128xf32> to vector<128xf32>
      %broadcast_in_dim3A_65 = vector.shape_cast %reduce_max3A_64 : vector<128xf32> to vector<1x128xf32>
      %get3A_66 = arith.index_cast %while3A_57 : i32 to index
      %get3A_67 = arith.constant 0 : index
      %get3A_68 = vector.load %arg7[%get3A_66, %get3A_67] : memref<128x128xf32, #tpu.memory_space<vmem>>, vector<1x128xf32>
      %max3A = arith.maximumf %get3A_68, %broadcast_in_dim3A_65 : vector<1x128xf32>
      %swap3A_69 = arith.index_cast %while3A_57 : i32 to index
      %swap3A_70 = arith.constant 0 : index
      %swap3A_71 = vector.load %arg7[%swap3A_69, %swap3A_70] : memref<128x128xf32, #tpu.memory_space<vmem>>, vector<1x128xf32>
      tpu.vector_store %arg7[%swap3A_69, %swap3A_70], %max3A {strides = array<i32>} : memref<128x128xf32, #tpu.memory_space<vmem>>, vector<1x128xf32>,
      %while3A_72 = arith.constant 0 : i32
      scf.yield %while3A_72 : i32
    }
    %eq3A_52 = arith.constant 31 : i32
    %eq3A_53 = arith.cmpi eq, %arg0, %eq3A_52 : i32
    %convert_element_type3A_54 = arith.extui %eq3A_53 : i1 to i32
    %cond3A_55 = arith.constant 0 : i32
    %cond3A_56 = arith.cmpi ne, %convert_element_type3A_54, %cond3A_55 : i32
    scf.if %cond3A_56 {
      %get3A_57 = arith.constant 0 : index
      %get3A_58 = arith.constant 0 : index
      %get3A_59 = vector.load %arg8[%get3A_57, %get3A_58] : memref<128x128xf32, #tpu.memory_space<vmem>>, vector<128x128xf32>
      %get3A_60 = arith.constant 0 : index
      %get3A_61 = arith.constant 0 : index
      %get3A_62 = vector.load %arg9[%get3A_60, %get3A_61] : memref<128x128xf32, #tpu.memory_space<vmem>>, vector<128x128xf32>
      %max3A = arith.constant 1.000000e+00 : f32
      %max3A_63 = vector.broadcast %max3A : f32 to vector<128x128xf32>
      %max3A_64 = arith.maximumf %get3A_62, %max3A_63 : vector<128x128xf32>
      %div3A = arith.divf %get3A_59, %max3A_64 : vector<128x128xf32>
      %get3A_65 = arith.constant 0 : index
      %get3A_66 = arith.constant 0 : index
      %get3A_67 = vector.load %arg7[%get3A_65, %get3A_66] : memref<128x128xf32, #tpu.memory_space<vmem>>, vector<128x128xf32>
      %get3A_68 = arith.constant 0 : index
      %get3A_69 = arith.constant 0 : index
      %get3A_70 = vector.load %arg4[%get3A_68, %get3A_69] : memref<256x128xf32, #tpu.memory_space<vmem>>, vector<128x128xf32>
      %dot_general3A_71 = arith.constant dense<0.000000e+00> : vector<128x128xf32>
      %dot_general3A_72 = tpu.matmul %get3A_67, %get3A_70, %dot_general3A_71 {dimension_numbers = #tpu.dot_dimension_numbers<[1], [0], [0], [1], [0, 0, 1, 1], [], []>, transpose_lhs_hint = false} : vector<128x128xf32>, vector<128x128xf32>, vector<128x128xf32> -> vector<128x128xf32>
      %get3A_73 = arith.constant 128 : index
      %get3A_74 = arith.constant 0 : index
      %get3A_75 = vector.load %arg4[%get3A_73, %get3A_74] : memref<256x128xf32, #tpu.memory_space<vmem>>, vector<128x128xf32>
      %dot_general3A_76 = arith.constant dense<0.000000e+00> : vector<128x128xf32>
      %dot_general3A_77 = tpu.matmul %div3A, %get3A_75, %dot_general3A_76 {dimension_numbers = #tpu.dot_dimension_numbers<[1], [0], [0], [1], [0, 0, 1, 1], [], []>, transpose_lhs_hint = false} : vector<128x128xf32>, vector<128x128xf32>, vector<128x128xf32> -> vector<128x128xf32>
      %add3A_78 = arith.addf %dot_general3A_72, %dot_general3A_77 : vector<128x128xf32>
      %get3A_79 = arith.constant 0 : index
      %get3A_80 = arith.constant 0 : index
      %get3A_81 = vector.load %arg5[%get3A_79, %get3A_80] : memref<1x128xf32, #tpu.memory_space<vmem>>, vector<1x128xf32>
      %add3A_82 = vector.broadcast %get3A_81 : vector<1x128xf32> to vector<128x128xf32>
      %add3A_83 = arith.addf %add3A_78, %add3A_82 : vector<128x128xf32>
      %swap3A_84 = arith.constant 0 : index
      %swap3A_85 = arith.constant 0 : index
      %swap3A_86 = vector.load %arg6[%swap3A_84, %swap3A_85] : memref<128x128xf32, #tpu.memory_space<vmem>>, vector<128x128xf32>
      tpu.vector_store %arg6[%swap3A_84, %swap3A_85], %add3A_83 {strides = array<i32>} : memref<128x128xf32, #tpu.memory_space<vmem>>, vector<128x128xf32>,
    } else {
    }
    return
  }
  func.func @transform_0(%arg0: i32) -> (i32, i32, i32) {
    %c0_i32 = arith.constant 0 : i32
    %c0_i32_0 = arith.constant 0 : i32
    %c0_i32_1 = arith.constant 0 : i32
    return %arg0, %c0_i32, %c0_i32_0 : i32, i32, i32
  }
  func.func @transform_1(%arg0: i32) -> (i32, i32, i32) {
    %c0_i32 = arith.constant 0 : i32
    %c0_i32_0 = arith.constant 0 : i32
    %c0_i32_1 = arith.constant 0 : i32
    return %arg0, %c0_i32, %c0_i32_0 : i32, i32, i32
  }
  func.func @transform_2(%arg0: i32) -> (i32, i32) {
    %c0_i32 = arith.constant 0 : i32
    %c0_i32_0 = arith.constant 0 : i32
    return %arg0, %c0_i32 : i32, i32
  }
  func.func @transform_3(%arg0: i32) -> (i32, i32) {
    %c0_i32 = arith.constant 0 : i32
    %c0_i32_0 = arith.constant 0 : i32
    %c0_i32_1 = arith.constant 0 : i32
    return %c0_i32, %c0_i32_0 : i32, i32
  }
  func.func @transform_4(%arg0: i32) -> (i32, i32) {
    %c0_i32 = arith.constant 0 : i32
    %c0_i32_0 = arith.constant 0 : i32
    %c0_i32_1 = arith.constant 0 : i32
    return %c0_i32, %c0_i32_0 : i32, i32
  }
  func.func @transform_5(%arg0: i32) -> (i32, i32) {
    %c0_i32 = arith.constant 0 : i32
    %c0_i32_0 = arith.constant 0 : i32
    %c0_i32_1 = arith.constant 0 : i32
    return %c0_i32, %c0_i32_0 : i32, i32
  }
}

</mosaic_0001>

<sc_bundles>
// kernel: scatter_offload_async_start
scs
__scs_entry_jumppad:
0x0: {  	(pc) =	sbr.rel $0x88, $3  }
0x1: {  	(tag) =	ssettag $0x0;
	lr =	simm.s32 $0x1  }
0x2: {  	[smem:$0x3F93] =	sst lr;
	_ =	strace $0xD0000000  }
0x3: {  	_ = 	snop  }
0x4: {  	_ = 	snop  }
0x5: {  	_ = 	snop  }
0x6: {  	_ = 	snop  }
0x7: {  	_ = 	snop  }
__scs_overlays_trampoline_lowered:
0x8: {  	[smem:$0x3FA2] =	sst s0  }
0x9: {  	[smem:$0x3FA3] =	sst s1  }
0xa: {  	[smem:$0x3FA4] =	sst s2  }
0xb: {  	[smem:$0x3FA5] =	sst s3  }
0xc: {  	[smem:$0x3FA6] =	sst s4  }
0xd: {  	[smem:$0x3FA7] =	sst s5  }
0xe: {  	[smem:$0x3FA8] =	sst s6  }
0xf: {  	[smem:$0x3FA9] =	sst s7  }
0x10: {  	[smem:$0x3FAA] =	sst s8  }
0x11: {  	[smem:$0x3FAB] =	sst s9;
	s0 =	simm.s32 @!p0 $0x0  }
0x12: {  	s1 =	sld [smem:$0x3F91];
	s0 =	simm.s32 @p0 $0x1  }
0x13: {  	[smem:$0x3FAC] =	sst s0;
	s0 =	simm.s32 @!p1 $0x0  }
0x14: {  	s2 =	sld [smem:$0x3F90];
	s0 =	simm.s32 @p1 $0x1  }
0x15: {  	[smem:$0x3FAD] =	sst s0;
	s0 =	simm.s32 @!p2 $0x0  }
0x16: {  	s3 =	sld [smem:$0x3FDB];
	s0 =	simm.s32 @p2 $0x1  }
0x17: {  	s4 =	simm.s32 $0x1BF5;
	[smem:$0x3FAF] =	sst s0  }
0x18: {  	s0 =	sld [smem:$0x3F92];
	_ =	swait.ge [sflag:s4], $0x0  }
0x19: {  	s7 =	sld [smem:$0x3F93]  }
0x1a: {  	s8 =	sadd.s32 $0xFFFFE003, lr  }
0x1b: {  	s9 =	sadd.s32 $0xFFFFFEF7, lr;
	s5 =	simm.s32 $0xFFFFFFFF;
	p2 =	slt.u32 s8, $0xFFFFF086  }
0x1c: {  	p1 =	slt.u32 s9, $0xF7A;
	s5 =	simm.s32 @!p2 $0x0  }
0x1d: {  	s5 =	simm.s32 @p1 $0x1;
	p0 =	seq.s32 s7, s2  }
0x1e: {  	s7 =	smul.u32 @!p0 $0xF7A, s2;
	p2 =	seq.s32 @!p0 s5, $0x0  }
0x1f: {  	s9 =	smul.u32 $0xF7A, s1;
	s8 =	simm.s32 @!p0 $0x1BF5;
	p2 =	por !p2, p0  }
0x20: {  	[sflag:s8] =	ssyncset.s32 @!p0 $0xFFFFF086;
	s6 =	sadd.s32 @!p0 s3, s7;
	s7 =	simm.s32 @!p0 $0x108  }
0x21: {  	s3 =	sadd.s32 s3, s9;
	s6 =	sadd.s32 @!p0 $0x88, s6;
	s7 =	simm.s32 @p2 $0x1082  }
0x22: {  	[simem:s7], [sflag:s8] =	dma.local @!p0 [hbm:s6], $0xF7A  }
0x23: {  	s9 =	sor.u32 $0xD0000000, s2;
	s6 =	simm.s32 $0x108;
	_ =	swait.ge @!p0 [sflag:s8], $0x0  }
0x24: {  	s3 =	sadd.s32 $0x88, s3;
	s6 =	simm.s32 @!p1 $0x1082;
	[sflag:s4] =	ssyncset.s32 $0xFFFFF086  }
0x25: {  	[simem:s6], [sflag:s4] =	dma.local [hbm:s3], $0xF7A  }
0x26: {  	[smem:$0x3F93] =	sst s1;
	(tag) =	ssettag s2;
	_ =	strace s9  }
0x27: {  	s1 =	sld [smem:$0x3FA3]  }
0x28: {  	s2 =	sld [smem:$0x3FA4]  }
0x29: {  	s4 =	sld [smem:$0x3FA6]  }
0x2a: {  	p0 =	seq.s32 s5, $0x0;
	s5 =	sld [smem:$0x3FA7]  }
0x2b: {  	s6 =	sld [smem:$0x3FA8]  }
0x2c: {  	s7 =	sld [smem:$0x3FA9]  }
0x2d: {  	s3 =	simm.s32 $0x108;
	s8 =	sld [smem:$0x3FAA]  }
0x2e: {  	s3 =	simm.s32 @!p0 $0x1082;
	s9 =	sld [smem:$0x3FAB]  }
0x2f: {  	lr =	sadd.s32 s0, s3;
	s0 =	sld [smem:$0x3FA2]  }
0x30: {  	s3 =	sld [smem:$0x3FA5]  }
0x31: {  	[smem:$0x3FAE] =	sst s10  }
0x32: {  	s10 =	sld [smem:$0x3FAC];
	_ =	sdelay $0x3  }
0x33: {  	p0 =	seq.s32 s10, $0x1;
	s10 =	sld [smem:$0x3FAE];
	_ =	sdelay $0x3  }
0x34: {  	[smem:$0x3FAE] =	sst s10  }
0x35: {  	s10 =	sld [smem:$0x3FAD];
	_ =	sdelay $0x3  }
0x36: {  	p1 =	seq.s32 s10, $0x1;
	s10 =	sld [smem:$0x3FAE];
	_ =	sdelay $0x3  }
0x37: {  	[smem:$0x3FAE] =	sst s10  }
0x38: {  	s10 =	sld [smem:$0x3FAF]  }
0x39: {  	_ = 	snop;
	(pc) =	sbr.ind lr, $3  }
0x3a: {  	_ = 	snop  }
0x3b: {  	_ = 	snop  }
0x3c: {  	p2 =	seq.s32 s10, $0x1;
	s10 =	sld [smem:$0x3FAE]  }
0x3d: {  	_ =	shalt  }
0x3e: {  	_ =	shalt  }
0x3f: {  	_ =	shalt  }
0x40: {  	_ =	shalt  }
0x41: {  	_ =	shalt  }
0x42: {  	_ =	shalt  }
0x43: {  	_ =	shalt  }
0x44: {  	_ =	shalt  }
0x45: {  	_ =	shalt  }
0x46: {  	_ =	shalt  }
0x47: {  	_ =	shalt  }
0x48: {  	_ =	shalt  }
0x49: {  	_ =	shalt  }
0x4a: {  	_ =	shalt  }
0x4b: {  	_ =	shalt  }
0x4c: {  	_ =	shalt  }
0x4d: {  	_ =	shalt  }
0x4e: {  	_ =	shalt  }
0x4f: {  	_ =	shalt  }
0x50: {  	_ =	shalt  }
0x51: {  	_ =	shalt  }
0x52: {  	_ =	shalt  }
0x53: {  	_ =	shalt  }
0x54: {  	_ =	shalt  }
0x55: {  	_ =	shalt  }
0x56: {  	_ =	shalt  }
0x57: {  	_ =	shalt  }
0x58: {  	_ =	shalt  }
0x59: {  	_ =	shalt  }
0x5a: {  	_ =	shalt  }
0x5b: {  	_ =	shalt  }
0x5c: {  	_ =	shalt  }
0x5d: {  	_ =	shalt  }
0x5e: {  	_ =	shalt  }
0x5f: {  	_ =	shalt  }
0x60: {  	_ =	shalt  }
0x61: {  	_ =	shalt  }
0x62: {  	_ =	shalt  }
0x63: {  	_ =	shalt  }
0x64: {  	_ =	shalt  }
0x65: {  	_ =	shalt  }
0x66: {  	_ =	shalt  }
0x67: {  	_ =	shalt  }
0x68: {  	_ =	shalt  }
0x69: {  	_ =	shalt  }
0x6a: {  	_ =	shalt  }
0x6b: {  	_ =	shalt  }
0x6c: {  	_ =	shalt  }
0x6d: {  	_ =	shalt  }
0x6e: {  	_ =	shalt  }
0x6f: {  	_ =	shalt  }
0x70: {  	_ =	shalt  }
0x71: {  	_ =	shalt  }
0x72: {  	_ =	shalt  }
0x73: {  	_ =	shalt  }
0x74: {  	_ =	shalt  }
0x75: {  	_ =	shalt  }
0x76: {  	_ =	shalt  }
0x77: {  	_ =	shalt  }
0x78: {  	_ =	shalt  }
0x79: {  	_ =	shalt  }
0x7a: {  	_ =	shalt  }
0x7b: {  	_ =	shalt  }
0x7c: {  	_ =	shalt  }
0x7d: {  	_ =	shalt  }
0x7e: {  	_ =	shalt  }
0x7f: {  	_ =	shalt  }
0x80: {  	_ =	shalt  }
0x81: {  	_ =	shalt  }
0x82: {  	_ =	shalt  }
0x83: {  	_ =	shalt  }
0x84: {  	_ =	shalt  }
0x85: {  	_ =	shalt  }
0x86: {  	_ =	shalt  }
0x87: {  	_ =	shalt  }
.Lfunc_end0:
.L_simem_size_0:
called_computation_lowered:
.L_overlay_start_0:
0x88: {  	s0 =	sld [smem:$0x3FD9]  }
0x89: {  	s1 =	sld [smem:$0x3FFE];
	_ =	sdelay $0x3  }
0x8a: {  	s0 =	sadd.s32 s1, s0  }
0x8b: {  	[smem:$0x3FBA] =	sst s0  }
0x8c: {  	_ = 	snop  }
0x8d: {  	(tm) =	ssettm $0x1  }
0x8e: {  	s15 =	sld [smem:$0x3FFB];
	_ =	sdelay $0x3  }
0x8f: {  	_ =	strace s15  }
0x90: {  	s0 =	sld [smem:$0x3FFC];
	_ =	sdelay $0x3  }
0x91: {  	_ =	strace s0  }
0x92: {  	s0 =	sld [smem:$0x3FFD];
	_ =	sdelay $0x3  }
0x93: {  	_ =	strace s0  }
0x94: {  	_ =	strace $0x8FFFFFFF  }
0x95: {  	s16 =	sld [smem:$0x3FDB];
	_ =	sdelay $0x1  }
0x96: {  	s17 =	simm.s32 $_scs_section_size  }
0x97: {  	s2 =	simm.s32 $_size__tile_overlayer_lowered;
	s3 =	simm.s32 $_tile_overlayer_lowered  }
0x98: {  	s20 =	simm.s32 $0x1BFF;
	s19 =	sshll.u32 s3, $0x1;
	s0 =	sadd.s32 s17, s16  }
0x99: {  	s4 =	simm.s32 $0x0;
	s18 =	sshll.u32 s2, $0x1;
	s2 =	sadd.s32 s19, s0  }
0x9a: {  	[timem:s4], [sflag:s20] =	dma.local [hbm:s2], s18  }
0x9b: {  	_ =	swait.ge [sflag:s20], s18  }
0x9c: {  	s1 =	ssub.s32 $0x0, s18;
	[sflag:s20] =	ssyncset.done $0x0  }
0x9d: {  	[sflag:s20] =	ssyncadd.s32 s1;
	_ =	sdelay $0x1  }
0x9e: {  	s21 =	simm.s32 $0x1B8B  }
0x9f: {  	_ =	swait.ge [sflag:s21], $0x1  }
0xa0: {  	[sflag:s21] =	ssyncset.done $0x0  }
0xa1: {  	s23 =	simm.s32 $0x1B8E;
	s22 =	sld [smem:$0x3FFE];
	[sflag:s21] =	ssyncadd.s32 $0xFFFFFFFF  }
0xa2: {  	s24 =	simm.s32 $execute0_lowered;
	[smem:$0x3FD2] =	sst s23  }
0xa3: {  	s2 =	sshll.u32 s24, $0x1;
	_ =	strace $0x80000046;
	[dreg:$0x1] =	wrdreg $0xFFFFFFFF  }
0xa4: {  	s25 =	simm.s32 $_size_execute0_lowered;
	s0 =	sadd.s32 s0, s2;
	[dreg:$0x0] =	wrdreg $0x0  }
0xa5: {  	s2 =	sshll.u32 s25, $0x1;
	[dreg:$0x2] =	wrdreg s0  }
0xa6: {  	[dreg:$0x3] =	wrdreg s2  }
0xa7: {  	[dreg:$0x4] =	wrdreg $0xC0  }
0xa8: {  	_ =	task [dreg:s4], $0x5FFFF  }
0xa9: {  	[dreg:$0x1] =	wrdreg $0xFFFFFFFF  }
0xaa: {  	[dreg:$0x0] =	wrdreg $0x60  }
0xab: {  	[dreg:$0x2] =	wrdreg s22  }
0xac: {  	[dreg:$0x3] =	wrdreg $0x9  }
0xad: {  	_ =	task.clear_ibuf [dreg:s4], $0x4FFFF;
	_ =	strace $0x90000046  }
0xae: {  	s26 =	simm.s32 $0x9;
	_ =	strace $0x80000048  }
0xaf: {  	_ =	swait.ge [sflag:s26], $0x1  }
0xb0: {  	[sflag:s26] =	ssyncadd.s32 $0xFFFFFFFF  }
0xb1: {  	_ =	strace $0x90000048  }
0xb2: {  	_ =	sfence  }
0xb3: {  	s28 =	sld [smem:$0x0];
	_ =	sdelay $0x1  }
0xb4: {  	s29 =	srdreg.scid  }
0xb5: {  	s30 =	sshll.u32 s29, $0xD;
	s31 =	sshrl.u32 s29, $0x2  }
0xb6: {  	s1 =	sand.u32 $0x1, s29;
	s2 =	sand.u32 $0x4000, s30;
	s0 =	sadd.s32 s31, s28  }
0xb7: {  	s1 =	sor.u32 s2, s1;
	s0 =	sshll.u32 s0, $0x11  }
0xb8: {  	s0 =	sor.u32 s0, s1  }
0xb9: {  	s0 =	sadd.s32 $0x8F2B, s0  }
0xba: {  	[sflag:s0] =	ssyncadd.remote.s32 $0x1  }
0xbb: {  	_ =	sfence.sel $0xFFFF  }
0xbc: {  	[dreg:$0x0] =	wrdreg $0xFFFFFFFF;
	(pc) =	sbr.abs _section_cstart, $3  }
0xbd: {  	[dreg:$0x1] =	wrdreg $0xFFFFFFFF  }
0xbe: {  	_ =	task.clear_ibuf [dreg:s4], $0x2FFFF;
	_ =	strace $0x9FFFFFFF  }
0xbf: {  	(tm) =	ssettm $0x7FFFFFFF  }
tec
execute0_lowered:
.L_overlay_start_1:
0x0: {  	(tag) =	ssettag $0x1  }
0x1: {  	s0 =	rddreg [dreg:$0x0];
	_ =	strace $0x80000047;
	s15 =	stileid.u32  }
0x2: {  	s2 =	simm.s32 $0x1;
	s1 =	smin.u32 s15, $0x8;
	s3 =	sshll.u32 s15, $0x1  }
0x3: {  	v1 =	vimm.s32 $0xFFFFFFFF;
	[sflag:s2] =	ssyncpa.u1 $0x0;
	s1 =	sadd.s32 s1, s3  }
0x4: {  	p0 =	slt.u32 s15, $0x8;
	[tilespmem:$0x10] =	vst v1;
	s4 =	smul.u32 $0x1F40, s1;
	s1 =	simm.s32 $0x5DC0  }
0x5: {  	v0 =	vimm.f32 $0.0e+00;
	[tilespmem:$0x20] =	vst v1;
	s1 =	simm.s32 @!p0 $0x3E80  }
0x6: {  	[tilespmem:$0x30] =	vst v0;
	s1 =	sadd.s32 s1, s4  }
0x7: {  	[tilespmem:$0x40] =	vst v0;
	s5 =	smin.u32 s1, $0x4E200  }
0x8: {  	s7 =	simm.s32 $0x2;
	s8 =	simm.s32 $0x8;
	[tilespmem:$0x50] =	vst v0;
	s9 =	ssub.s32 s5, s4  }
0x9: {  	s31 =	simm.s32 $0x9;
	s16 =	simm.s32 $0x0;
	[tilespmem:$0x60] =	vst v1;
	p0 =	sgt.s32 s9, $0x0  }
0xa: {  	s17 =	simm.s32 $0xF0;
	s18 =	simm.s32 $0xFFFFFFFF;
	[tilespmem:$0x70] =	vst v1;
	s9 =	simm.s32 @!p0 $0x0  }
0xb: {  	s19 =	simm.s32 $0xFFFFC280;
	s20 =	simm.s32 $0xFFFFFFFE;
	[tilespmem:$0x80] =	vst v1;
	s30 =	smulhi.u32 $0x10624DD3, s9  }
0xc: {  	s21 =	simm.s32 $0xF;
	s25 =	simm.s32 $0x0;
	s24 =	simm.s32 $0x0;
	v1 =	vimm.s32 $0x0;
	[tilespmem:$0xB0] =	vst v0  }
0xd: {  	s6 =	sadd.s32 $0x2DA00, s0;
	s15 =	sshllo.u32 s15, $0x1;
	[tilespmem:$0x90] =	vst v1;
	s10 =	sshrl.u32 s30, $0x9  }
0xe: {  	[tilespmem:$0xA0] =	vst v1;
	[sflag:s7] =	ssyncpa.u1 $0x0;
	s7 =	simm.s32 $0x7;
	s11 =	smul.u32 $0x1F40, s10  }
.Ltmp0:
0xf: {  	s13 =	sor.u32 $0x80, s3;
	[sflag:s7] =	ssyncpa.u1 $0x0;
	(pc) =	sbr.rel .LBB2_1-.Ltmp0, $4  }
0x10: {  	s14 =	sor.u32 $0x81, s3;
	[sflag:s8] =	ssyncpa.u1 $0x0;
	p0 =	sne.s32 s9, s11  }
0x11: {  	s23 =	smov.u32 s4;
	s1 =	sadd.s32 $0x69600, s0;
	s2 =	simm.s32 @!p0 $0x0  }
0x12: {  	vm0 =	vmmov $0xffff;
	v2 =	vlaneseq.u32;
	[sflag:s31] =	ssyncpa.u1 $0x0;
	s9 =	sadd.s32 $0x37800, s0;
	s10 =	sadd.s32 s2, s10  }
0x13: {  	vm1 =	vmxor vm1, vm1;
	vm2 =	vmmov $0x1;
	vm3 =	vcmask $0x3F3C;
	p0 =	por $0x0, $0x0;
	s11 =	sadd.s32 $0x1, s10;
	s12 =	sadd.s32 $0x2, s10  }
.LBB2_9:
0x14: {  	p1 =	slt.u32 s24, $0x3  }
0x15: {  	s0 =	simm.s32 @!p1 $0x2  }
0x16: {  	_ =	swait.ge @!p1 [sflag:s0], $0x1F40  }
0x17: {  	[sflag:s0] =	ssyncset.done @!p1 $0x0  }
0x18: {  	[sflag:s0] =	ssyncadd.s32 @!p1 $0xFFFFE0C0;
	s0 =	simm.s32 @!p1 $0x9  }
0x19: {  	_ =	swait.ge @!p1 [sflag:s0], $0x10  }
0x1a: {  	[sflag:s0] =	ssyncset.done @!p1 $0x0  }
0x1b: {  	[sflag:s0] =	ssyncadd.s32 @!p1 $0xFFFFFFF0;
	p1 =	sne.s32 s24, s12  }
.Ltmp1:
0x1c: {  	s2 =	sadd.s32 $0x1F40, s23;
	(pc) =	sbr.rel @!p1 .LBB2_10-.Ltmp1, $4  }
0x1d: {  	s22 =	smov.u32 s4;
	s31 =	sadd.s32 $0x1, s24;
	s17 =	sadd.s32 $0x1F40, s17  }
0x1e: {  	s18 =	sadd.s32 $0x1, s18;
	s25 =	smov.u32 s23;
	p2 =	slt.s32 s2, s5  }
0x1f: {  	p0 =	por !p0, !p0;
	s19 =	sadd.s32 $0x1F40, s19;
	s22 =	smov.u32 @p2 s2  }
0x20: {  	s20 =	sadd.s32 $0x1, s20;
	s23 =	smov.u32 s22;
	s24 =	smov.u32 s31  }
.LBB2_1:
0x21: {  	p1 =	sge.u32 s24, s10  }
0x22: {  	s0 =	smulhi.u32 @!p1 $0xAAAAAAAB, s24;
	_ =	sdelay $0x1  }
0x23: {  	s0 =	sshrl.u32 @!p1 s0, $0x1  }
0x24: {  	s0 =	smul.u32 @!p1 $0x3, s0;
	_ =	sdelay $0x1  }
0x25: {  	s0 =	ssub.s32 @!p1 s24, s0  }
0x26: {  	s0 =	smul.u32 @!p1 $0x7D00, s0;
	_ =	sdelay $0x1  }
0x27: {  	s2 =	sshrl.u32 @!p1 s23, $0x3;
	s0 =	sshrl.u32 @!p1 s0, $0x2  }
0x28: {  	s22 =	sand.u32 @!p1 $0x7, s23;
	s2 =	sadd.s32 @!p1 s6, s2;
	s0 =	sadd.s32 @!p1 $0x100, s0  }
0x29: {  	[tilespmem:s0], [sflag:$0x7] =	stream.linear.gather @!p1 [hbm4b:s2+s22], $0x1F40, $0x38;
	[tilespmem:$0x11A60] =	vst v63  }
0x2a: {  	s0 =	sadd.s32 $0xFFFFFFFF, s24  }
0x2b: {  	p1 =	sge.u32 s0, s10  }
.Ltmp2:
0x2c: {  	_ = 	snop;
	(pc) =	sbr.rel @p1 .LBB2_5-.Ltmp2, $1  }
0x2d: {  	_ =	sdelay $0x3  }
0x2e: {  	s2 =	smulhi.u32 $0xAAAAAAAB, s0;
	_ =	sdelay $0x1  }
0x2f: {  	s2 =	sshrl.u32 s2, $0x1  }
0x30: {  	s2 =	smul.u32 $0x3, s2;
	_ =	sdelay $0x1  }
0x31: {  	s2 =	ssub.s32 s0, s2  }
0x32: {  	s2 =	smul.u32 $0x7D00, s2  }
0x33: {  	_ =	swait.ge [sflag:s7], $0x1F40  }
0x34: {  	[sflag:s7] =	ssyncset.done $0x0;
	s2 =	sshrl.u32 s2, $0x2  }
0x35: {  	[sflag:s7] =	ssyncadd.s32 $0xFFFFE0C0;
	(ifvalue) =	ssetifvalue $0xFFFFFFFF;
	v3 =	vld.msk [tilespmem:s2+$0x100 ss:$0x1], $0xffff;
	_ =	sdelay $0x2  }
0x36: {  	s30 =	smulhi.u32 $0xAAAAAAAB, s18;
	p1 =	sne.s32 s24, $0x1  }
0x37: {  	v4 =	vimm.s32 @!p1 $0x0  }
0x38: {  	s2 =	sshrl.u32 s30, $0x1;
	v4 =	vperm.xlane @!p1 v3, v4  }
0x39: {  	s22 =	sshll.u32 s24, $0x4;
	s2 =	smul.u32 $0xFFFE8900, s2;
	vm4 =	vlt.u32 v3, $0x6400000  }
0x3a: {  	s22 =	sand.u32 $0x10, s22;
	v3 =	vnsel vm4, $0xFFFFFFFE, v3;
	vm4 =	vlt.u32 @!p1 v4, $0x6400000  }
0x3b: {  	s2 =	sshra.s32 s2, $0x2;
	[tilespmem:s22+$0x60] =	vst v3;
	v3 =	vnsel @!p1 vm4, $0xFFFFFFFE, v4  }
0x3c: {  	s28 =	sadd.s32 s2, s17;
	[tilespmem:$0x80] =	vst @!p1 v3  }
0x3d: {  	v3 =	vld.msk [tilespmem:s28+$0x0 ss:$0x1], $0xffff;
	_ =	sdelay $0x4  }
0x3e: {  	(xrf1) =	vunique.msk.u32 $0xffff, v3;
	_ =	sdelay $0xd  }
0x3f: {  	v4 =	vimm.s32 $0xFFFFFFFF;
	v5, _, _ =	vpop (xrf1)  }
0x40: {  	vm5 =	vne.s32 v3, v4;
	vm4 =	veq.s32 v5, v2  }
0x41: {  	vm6 =	vlt.u32 v3, $0x6400000;
	vm4 =	vmand vm5, vm4  }
0x42: {  	vm4 =	vmand vm6, vm4  }
0x43: {  	v4 =	vnsel vm4, $0xFFFFFFFF, v3  }
0x44: {  	s31 =	sand.u32 $0x1, s0  }
0x45: {  	s0 =	simm.s32 $0x1F40;
	p1 =	seq.s32 s31, $0x1  }
0x46: {  	s0 =	simm.s32 @!p1 $0x0  }
0x47: {  	s26 =	sadd.s32 $0x7DF0, s0;
	(ifvalue) =	ssetifvalue $0xFFFFFFFF  }
0x48: {  	v3 =	vperm.xlane v3, v1;
	[tilespmem:s26], [sflag:$0x8] =	stream.indirect_vreg.gather [hbm4b:s1+s16], $0x1, v4, vm0, $0x4038;
	v4 =	vnsel vm6, $0xFFFFFFFE, v4;
	[tilespmem:$0x11A60] =	vst v63  }
0x49: {  	s2 =	simm.s32 $0x0;
	s22 =	sadd.s32 $0xFFFFFFF0, s28;
	[tilespmem:s28+$0x0] =	vst v4  }
.LBB2_3:
0x4a: {  	v4 =	vld.msk [tilespmem:s22+$0x0 ss:$0x1], $0xffff;
	s2 =	sadd.s32 $0x10, s2;
	v5 =	vmov v3;
	s28 =	smov.u32 s22  }
0x4b: {  	p1 =	slt.u32 s2, $0x1F30;
	_ =	sdelay $0x4  }
0x4c: {  	v3 =	vperm.xlane v4, v1;
	(xrf1) =	vunique.msk.u32 $0xffff, v4;
	_ =	sdelay $0xd  }
0x4d: {  	v6, _, _ =	vpop (xrf1)  }
0x4e: {  	vm5 =	vne.s32 v4, v5;
	vm4 =	veq.s32 v6, v2  }
0x4f: {  	vm6 =	vlt.u32 v4, $0x6400000;
	vm4 =	vmand vm5, vm4  }
0x50: {  	vm4 =	vmand vm6, vm4  }
0x51: {  	v4 =	vnsel vm4, $0xFFFFFFFF, v4  }
.Ltmp3:
0x52: {  	v5 =	vnsel vm6, $0xFFFFFFFE, v4;
	(pc) =	sbr.rel @p1 .LBB2_3-.Ltmp3, $3  }
0x53: {  	_ =	sdelay $0x1  }
0x54: {  	s22 =	sadd.s32 $0xFFFFFFF0, s22;
	s26 =	sadd.s32 $0xFFFFFFF0, s26;
	(ifvalue) =	ssetifvalue $0xFFFFFFFF  }
0x55: {  	[tilespmem:s26], [sflag:$0x8] =	stream.indirect_vreg.gather [hbm4b:s1+s16], $0x1, v4, vm0, $0x4038;
	[tilespmem:s28+$0x0] =	vst v5  }
0x56: {  	s2 =	sshrl.u32 s25, $0x3  }
0x57: {  	s0 =	sadd.s32 $0x9D40, s0;
	s2 =	sadd.s32 s9, s2  }
0x58: {  	[tilespmem:s0], [sflag:$0x8] =	stream.linear.gather [hbm:s2], $0x1F40, $0x38;
	[tilespmem:$0x11A60] =	vst v63  }
.LBB2_5:
0x59: {  	p1 =	slt.u32 s24, $0x2  }
0x5a: {  	p2 =	sge.u32 @!p1 s24, s12  }
0x5b: {  	p1 =	por p1, p2  }
.Ltmp4:
0x5c: {  	_ = 	snop;
	(pc) =	sbr.rel @p1 .LBB2_9-.Ltmp4, $1  }
0x5d: {  	_ =	sdelay $0x3  }
0x5e: {  	s0 =	sadd.s32 $0xFFFFFFFE, s24  }
0x5f: {  	s2 =	smulhi.u32 $0xAAAAAAAB, s0;
	_ =	sdelay $0x1  }
0x60: {  	s2 =	sshrl.u32 s2, $0x1  }
0x61: {  	s2 =	smul.u32 $0x3, s2;
	_ =	sdelay $0x1  }
0x62: {  	s0 =	ssub.s32 s0, s2  }
0x63: {  	_ =	swait.ge [sflag:s8], $0x3E80;
	s0 =	smul.u32 $0x1F40, s0  }
0x64: {  	p1 =	sne.s32 s24, s11;
	[sflag:s8] =	ssyncset.done $0x0  }
0x65: {  	[sflag:s8] =	ssyncadd.s32 $0xFFFFC180;
	s2 =	sadd.s32 @!p1 $0x203F, s0  }
0x66: {  	[spmem:s14] =	stream.linear.scatter @!p1 [tilespmem:s2], [sflag:$0x1], $0x1, $0x38;
	[tilespmem:$0x11A60] =	vst v63  }
0x67: {  	s2 =	simm.s32 @!p1 $0x1  }
0x68: {  	_ =	swait.ge @!p1 [sflag:s2], $0x1  }
0x69: {  	s22 =	sshll.u32 s24, $0x4;
	[sflag:s2] =	ssyncset.done @!p1 $0x0  }
0x6a: {  	s25 =	sand.u32 $0x10, s22;
	[sflag:s2] =	ssyncadd.s32 @!p1 $0xFFFFFFFF  }
0x6b: {  	s2 =	sxor.u32 $0x10, s25;
	v4 =	vld [tilespmem:s25+$0x10]  }
0x6c: {  	v5 =	vld [tilespmem:s2+$0x60]  }
0x6d: {  	v3 =	vld [tilespmem:$0x80];
	_ =	sdelay $0x2  }
0x6e: {  	(v2sf) =	vpush v4, $0x0  }
0x6f: {  	(v2sf) =	vpush v5, $0x0  }
0x70: {  	(v2sf) =	vpush v3, $0x0;
	_ =	sdelay $0xc  }
0x71: {  	s22 =	spop (v2sf)  }
0x72: {  	s26 =	spop (v2sf)  }
0x73: {  	s28 =	spop (v2sf)  }
0x74: {  	p2 =	seq.s32 s22, s26;
	p3 =	seq.s32 s28, s22  }
0x75: {  	p3 =	por p2, p3  }
0x76: {  	s26 =	sand.u32 $0x1, s24;
	v4 =	vpsel p3, $0xFFFFFFFF, v4  }
0x77: {  	s29 =	smul.u32 $0x1F40, s26;
	[tilespmem:s25+$0x10] =	vst.msk $0x1, v4  }
0x78: {  	v4 =	vld [tilespmem:$0x30]  }
0x79: {  	v5 =	vld [tilespmem:s29+$0x9D40]  }
0x7a: {  	v6 =	vld [tilespmem:s25+$0x40];
	_ =	sdelay $0x3  }
0x7b: {  	vm4 =	vmmov vm1;
	v5 =	vadd.f32 v5, v4  }
0x7c: {  	vm5 =	vmmov vm2;
	vm4 =	vmmov @p2 vm2;
	s22 =	sshll.u32 s26, $0x4;
	v4 =	vadd.f32 v6, v4  }
0x7d: {  	s26 =	sor.u32 $0x11A40, s22;
	vm5 =	vmmov @p3 vm1;
	[tilespmem:s29+$0x9D40] =	vst.msk vm4, v5  }
0x7e: {  	[tilespmem:s26+$0x0] =	vst.msk vm5, v4  }
0x7f: {  	v4 =	vld [tilespmem:s29+$0x7DF0];
	_ =	sdelay $0x3  }
0x80: {  	v5 =	vimm.f32 $0.0e+00  }
0x81: {  	v4 =	vshift.insert v4, v5, s21  }
0x82: {  	s22 =	sor.u32 $0x40, s2  }
0x83: {  	[tilespmem:s22+$0x0] =	vst.msk $0x1, v4  }
0x84: {  	[tilespmem:s29+$0x7DFF] =	vst.msk $0x1, v5  }
0x85: {  	v4 =	vld [tilespmem:s0+$0x2030];
	_ =	sdelay $0x1  }
0x86: {  	s22 =	smulhi.u32 $0xAAAAAAAB, s20;
	s0 =	simm.s32 $0x1  }
0x87: {  	s0 =	simm.s32 @!p0 $0x0  }
0x88: {  	s22 =	sshrl.u32 s22, $0x1;
	s0 =	smul.u32 $0x7D00, s0  }
0x89: {  	s22 =	smul.u32 $0xFFFE8900, s22;
	v4 =	vshift.insert v4, v1, s21  }
0x8a: {  	s0 =	sshrl.u32 s0, $0x2  }
0x8b: {  	s22 =	sshra.s32 s22, $0x2;
	s30 =	sadd.s32 $0x9D40, s0;
	[tilespmem:s2+$0x10] =	vst.msk $0x1, v4  }
0x8c: {  	s22 =	sadd.s32 s22, s19;
	v6 =	vld [tilespmem:s30+$0x0]  }
0x8d: {  	v7 =	vld [tilespmem:s22+$0x0];
	_ =	sdelay $0x3  }
0x8e: {  	v5 =	vadd.f32 v6, v5  }
0x8f: {  	vm4 =	vne.s32 v7, $0xFFFFFFFF  }
0x90: {  	(xrf2) =	vadd.seg.scan.f32 vm4, v5;
	_ =	sdelay $0x3  }
0x91: {  	s31 =	sadd.s32 $0x5EC0, s0;
	v5 =	vperm.xlane v4, v1  }
0x92: {  	v6 =	vld [tilespmem:s31+$0x0]  }
0x93: {  	vm5 =	veq.s32 v7, v3;
	vm6 =	veq.s32 v7, v5  }
0x94: {  	vm7 =	vgt.u32 v7, $0xFFFFFFFD;
	vm6 =	vmor vm6, vm5  }
0x95: {  	vm6 =	vmor vm6, vm7  }
0x96: {  	v9 =	vld [tilespmem:$0xA0];
	v7 =	vsel vm6, $0xFFFFFFFF, v7  }
0x97: {  	v10 =	vld [tilespmem:$0x90];
	v6 =	vsel vm5, $0x0, v6;
	v8, _, _ =	vpop (xrf2)  }
0x98: {  	v6 =	vadd.f32 v8, v6  }
0x99: {  	s0 =	sadd.s32 $0xDBC0, s0  }
0x9a: {  	vm4 =	vmand vm4, vm3;
	[tilespmem:s0+$0x0] =	vst v6;
	(ifvalue) =	ssetifvalue $0xFFFFFFFF  }
0x9b: {  	vm6 =	veq.s32 v9, $0x1;
	[hbm4b:s1+s16] =	stream.indirect_vreg.scatter [tilespmem:s0], [sflag:$0x2], $0x1, v7, vm0, $0x4038;
	v7 =	vsel vm4, $0x0, v8;
	[tilespmem:$0x11A60] =	vst v63  }
0x9c: {  	s2 =	simm.s32 $0x0;
	s22 =	sadd.s32 $0x10, s22;
	vm4 =	vmor vm6, vm5;
	v6 =	vsel vm5, v8, v10;
	v7 =	vshift.insert v7, v0, s21  }
.LBB2_7:
0x9d: {  	v8 =	vld [tilespmem:s22+$0x0];
	s30 =	sadd.s32 $0x10, s30  }
0x9e: {  	s31 =	sadd.s32 $0x10, s31;
	v9 =	vld [tilespmem:s30+$0x0]  }
0x9f: {  	s2 =	sadd.s32 $0x10, s2;
	v10 =	vld [tilespmem:s31+$0x0]  }
0xa0: {  	p2 =	slt.u32 s2, $0x1F30;
	_ =	sdelay $0x2  }
0xa1: {  	v7 =	vadd.f32 v9, v7  }
0xa2: {  	vm5 =	vne.s32 v8, $0xFFFFFFFF  }
0xa3: {  	vm6 =	vmand vm5, vm3;
	(xrf2) =	vadd.seg.scan.f32 vm5, v7;
	_ =	sdelay $0x5  }
0xa4: {  	vm7 =	veq.s32 v8, v5;
	vm5 =	veq.s32 v8, v3  }
0xa5: {  	vm8 =	vgt.u32 v8, $0xFFFFFFFD;
	vm4 =	vmor vm4, vm5;
	vm7 =	vmor vm7, vm5  }
0xa6: {  	vm7 =	vmor vm7, vm8  }
0xa7: {  	v8 =	vsel vm7, $0xFFFFFFFF, v8  }
.Ltmp5:
0xa8: {  	v7 =	vsel vm5, $0x0, v10;
	v9, _, _ =	vpop (xrf2);
	(pc) =	sbr.rel @p2 .LBB2_7-.Ltmp5, $4  }
0xa9: {  	v6 =	vsel vm5, v9, v6;
	v10 =	vadd.f32 v9, v7;
	v7 =	vsel vm6, $0x0, v9  }
0xaa: {  	s0 =	sadd.s32 $0x10, s0;
	v7 =	vshift.insert v7, v0, s21  }
0xab: {  	s22 =	sadd.s32 $0x10, s22;
	[tilespmem:s0+$0x0] =	vst v10;
	(ifvalue) =	ssetifvalue $0xFFFFFFFF  }
0xac: {  	[hbm4b:s1+s16] =	stream.indirect_vreg.scatter [tilespmem:s0], [sflag:$0x2], $0x1, v8, vm0, $0x4038;
	[tilespmem:$0x11A60] =	vst v63  }
0xad: {  	v3 =	vld [tilespmem:s29+$0xFAF0];
	_ =	sdelay $0x4  }
0xae: {  	v3 =	vshift.insert v3, v0, s21  }
0xaf: {  	s0 =	simm.s32 $0x30  }
0xb0: {  	[tilespmem:s0+$0x0] =	vst.msk $0x1, v3  }
0xb1: {  	v3 =	vsel vm4, $0x1, v1;
	[tilespmem:$0x90] =	vst v6  }
0xb2: {  	s0 =	sadd.s32 @!p1 $0xFAFF, s29;
	[tilespmem:$0xA0] =	vst v3  }
0xb3: {  	[spmem:s15] =	stream.linear.scatter @!p1 [tilespmem:s0], [sflag:$0x1], $0x1, $0x38;
	[tilespmem:$0x11A60] =	vst v63  }
0xb4: {  	s0 =	simm.s32 @!p1 $0x1  }
0xb5: {  	v3 =	vmctz.xlane @!p1 vm4;
	_ =	swait.ge @!p1 [sflag:s0], $0x1  }
0xb6: {  	(v2sf) =	vpush @!p1 v4, $0x0  }
0xb7: {  	(v2sf) =	vpush @!p1 v3, $0x0;
	_ =	sdelay $0xd  }
0xb8: {  	s2 =	spop @!p1 (v2sf)  }
0xb9: {  	s22 =	spop @!p1 (v2sf)  }
0xba: {  	p2 =	sne.s32 @!p1 s28, s2;
	p3 =	slt.s32 @!p1 s22, $0xF  }
0xbb: {  	[sflag:s0] =	ssyncset.done @!p1 $0x0;
	p2 =	por p2, p1;
	p3 =	por !p3, p1  }
0xbc: {  	[sflag:s0] =	ssyncadd.s32 @!p1 $0xFFFFFFFF;
	v3 =	vimm.s32 @!p2 $0xFFFFFFFF;
	s22 =	simm.s32 @p3 $0xF  }
0xbd: {  	[tilespmem:$0x80] =	vst @!p2 v3;
	s2 =	sadd.s32 @!p1 $0x90, s22  }
0xbe: {  	[spmem:s3] =	stream.linear.scatter @!p1 [tilespmem:s2], [sflag:$0x1], $0x1, $0x38;
	[tilespmem:$0x11A60] =	vst v63  }
0xbf: {  	_ =	swait.ge @!p1 [sflag:s0], $0x1  }
0xc0: {  	[sflag:s0] =	ssyncset.done @!p1 $0x0  }
0xc1: {  	s2 =	simm.s32 @!p1 $0x80;
	[sflag:s0] =	ssyncadd.s32 @!p1 $0xFFFFFFFF  }
0xc2: {  	[spmem:s13] =	stream.linear.scatter @!p1 [tilespmem:s2], [sflag:$0x1], $0x1, $0x38;
	[tilespmem:$0x11A60] =	vst v63  }
0xc3: {  	_ =	swait.ge @!p1 [sflag:s0], $0x1  }
0xc4: {  	[sflag:s0] =	ssyncset.done @!p1 $0x0  }
0xc5: {  	[sflag:s0] =	ssyncadd.s32 @!p1 $0xFFFFFFFF;
	(ifvalue) =	ssetifvalue $0xFFFFFFFF;
	v3 =	vld [tilespmem:s25+$0x10];
	_ =	sdelay $0x3  }
.Ltmp6:
0xc6: {  	_ = 	snop;
	(pc) =	sbr.rel .LBB2_9-.Ltmp6, $3  }
0xc7: {  	_ =	sdelay $0x1  }
0xc8: {  	(ifvalue) =	ssetifvalue $0xFFFFFFFF  }
0xc9: {  	[hbm4b:s1+s16] =	stream.indirect_vreg.scatter [tilespmem:s26], [sflag:$0x9], $0x1, v3, vm0, $0x4038;
	[tilespmem:$0x11A60] =	vst v63  }
.LBB2_10:
0xca: {  	_ =	sfence.sel $0x180000  }
0xcb: {  	s0 =	simm.s32 $0x7;
	[bflag:$0x0] =	sbarrier.arrive $0xFFFF  }
0xcc: {  	s26 =	simm.s32 $0x8;
	[sflag:s0] =	ssyncpa.u1 $0x1  }
0xcd: {  	s28 =	simm.s32 $0x9;
	[sflag:s26] =	ssyncpa.u1 $0x1  }
0xce: {  	[sflag:s28] =	ssyncpa.u1 $0x1  }
0xcf: {  	_ =	sfence.stream.spmem  }
0xd0: {  	s29 =	simm.s32 $0x3;
	[bflag:$0x0] =	sbarrier.arrive $0xFFFF  }
0xd1: {  	s30 =	simm.s32 $0x4;
	[sflag:s29] =	ssyncpa.u1 $0x1  }
0xd2: {  	s31 =	simm.s32 $0x3C;
	s2 =	stileid.u32;
	[sflag:s30] =	ssyncpa.u1 $0x1  }
0xd3: {  	p0 =	sne.s32 s2, $0x0;
	[sflag:s31] =	ssyncpa.u1 $0x1  }
0xd4: {  	s0 =	simm.s32 @p0 $0x1;
	_ =	sfence @p0  }
0xd5: {  	[sflag:s0] =	ssyncpa.u1 @p0 $0x1;
	s0 =	simm.s32 @p0 $0x2  }
0xd6: {  	[sflag:s0] =	ssyncpa.u1 @p0 $0x1  }
0xd7: {  	_ =	strace @p0 $0x90000047  }
0xd8: {  	[bflag:$0x2] =	sbarrier.arrive @p0 $0xFFFF  }
0xd9: {  	_ =	shalt @p0  }
.LBB2_11:
0xda: {  	_ =	sfence.stream.spmem;
	s0 =	simm.s32 $0x5  }
0xdb: {  	s2 =	simm.s32 $0x80;
	s3 =	simm.s32 $0xC0;
	[sflag:s0] =	ssyncpa.u1 $0x0  }
0xdc: {  	[tilespmem:s3], [sflag:$0x5] =	stream.linear.gather [spmem:s2], $0x20, $0x38;
	[tilespmem:$0x11A60] =	vst v63  }
0xdd: {  	s2 =	simm.s32 $0x0;
	s3 =	simm.s32 $0xE0  }
0xde: {  	[tilespmem:s3], [sflag:$0x5] =	stream.linear.gather [spmem:s2], $0x20, $0x38;
	[tilespmem:$0x11A60] =	vst v63  }
.Ltmp7:
0xdf: {  	_ = 	snop;
	(pc) =	sbr.rel .LBB2_12-.Ltmp7, $4  }
0xe0: {  	_ =	swait.ge [sflag:s0], $0x40  }
0xe1: {  	[sflag:s0] =	ssyncset.done $0x0  }
0xe2: {  	s31 =	simm.s32 $0x6;
	[sflag:s0] =	ssyncadd.s32 $0xFFFFFFC0  }
0xe3: {  	s4 =	simm.s32 $0x0;
	[sflag:s31] =	ssyncpa.u1 $0x0  }
.LBB2_17:
0xe4: {  	p0 =	sgt.u32 s5, $0x63FFFFF  }
0xe5: {  	s0 =	sshrl.u32 @!p0 s5, $0x3  }
0xe6: {  	s5 =	sand.u32 @!p0 $0x7, s5;
	s6 =	simm.s32 @!p0 $0xB0;
	s0 =	sadd.s32 @!p0 s1, s0  }
0xe7: {  	[tilespmem:s6], [sflag:$0x6] =	stream.linear.gather @!p0 [hbm4b:s0+s5], $0x1, $0x38;
	[tilespmem:$0x11A60] =	vst v63  }
0xe8: {  	s0 =	simm.s32 @!p0 $0x6  }
0xe9: {  	_ =	swait.ge @!p0 [sflag:s0], $0x1  }
0xea: {  	[sflag:s0] =	ssyncset.done @!p0 $0x0  }
0xeb: {  	[sflag:s0] =	ssyncadd.s32 @!p0 $0xFFFFFFFF  }
0xec: {  	v2 =	vmov @!p0 s4;
	v1 =	vld.msk @!p0 [tilespmem:$0xB0], $0x1;
	_ =	sdelay $0x3  }
0xed: {  	s0 =	simm.s32 @!p0 $0xE0  }
0xee: {  	[tilespmem:v2+s0+$0x0], v1 =	vst.idx.ret.add.f32.msk @!p0 $0x1, v1  }
0xef: {  	[tilespmem:s2+$0xC0] =	vst.msk $0x1, v0  }
0xf0: {  	v0 =	vld.msk [tilespmem:s4+$0xE0], $0x1;
	_ =	sdelay $0x4  }
0xf1: {  	[tilespmem:s2+$0xE0] =	vst.msk $0x1, v0;
	s2 =	sadd.s32 $0x1, s2  }
.LBB2_19:
0xf2: {  	s4 =	sadd.s32 $0x1, s4  }
0xf3: {  	p0 =	sne.s32 s4, $0x20  }
.Ltmp8:
0xf4: {  	_ = 	snop;
	(pc) =	sbr.rel @!p0 .LBB2_20-.Ltmp8, $1  }
0xf5: {  	_ =	sdelay $0x3  }
.LBB2_12:
0xf6: {  	v0 =	vld.msk [tilespmem:s4+$0xC0], $0x1;
	_ =	sdelay $0x4  }
0xf7: {  	(v2sf) =	vpush v0, $0x0;
	_ =	sdelay $0xe  }
0xf8: {  	s5 =	spop (v2sf)  }
0xf9: {  	p0 =	seq.s32 s5, $0xFFFFFFFF  }
.Ltmp9:
0xfa: {  	_ = 	snop;
	(pc) =	sbr.rel @p0 .LBB2_19-.Ltmp9, $1  }
0xfb: {  	_ =	sdelay $0x3  }
0xfc: {  	p0 =	slt.s32 s2, $0x1  }
.Ltmp10:
0xfd: {  	_ = 	snop;
	(pc) =	sbr.rel @p0 .LBB2_17-.Ltmp10, $1  }
0xfe: {  	_ =	sdelay $0x3  }
0xff: {  	s0 =	simm.s32 $0xC0;
	p0 =	por $0x0, $0x0  }
0x100: {  	v1 =	vld.msk @!p0 [tilespmem:s0+$0x0], $0x1;
	_ =	sdelay $0x4  }
0x101: {  	(v2sf) =	vpush @!p0 v1, $0x0;
	_ =	sdelay $0xd  }
0x102: {  	p2 =	sne.s32 s2, $0x1  }
.Ltmp11:
0x103: {  	s6 =	spop @!p0 (v2sf);
	(pc) =	sbr.rel @!p2 .LBB2_16-.Ltmp11, $4  }
0x104: {  	p1 =	seq.s32 @!p0 s5, s6  }
0x105: {  	s6 =	simm.s32 $0x0;
	p1 =	por !p1, p0  }
0x106: {  	s8 =	simm.s32 $0xFFFFFFFF;
	s6 =	simm.s32 @p1 $0xFFFFFFFF  }
0x107: {  	s7 =	simm.s32 $0x1;
	s6 =	smov.u32 @p0 s8  }
.LBB2_15:
0x108: {  	s8 =	smov.u32 s6;
	p0 =	sne.s32 s6, $0xFFFFFFFF  }
0x109: {  	s0 =	sadd.s32 $0x1, s0;
	s6 =	smov.u32 s7;
	s7 =	sadd.s32 $0x1, s7  }
0x10a: {  	p1 =	sne.s32 s2, s7;
	v1 =	vld.msk @!p0 [tilespmem:s0+$0x0], $0x1;
	_ =	sdelay $0x4  }
0x10b: {  	(v2sf) =	vpush @!p0 v1, $0x0;
	_ =	sdelay $0xe  }
.Ltmp12:
0x10c: {  	s9 =	spop @!p0 (v2sf);
	(pc) =	sbr.rel @p1 .LBB2_15-.Ltmp12, $4  }
0x10d: {  	p2 =	seq.s32 @!p0 s5, s9  }
0x10e: {  	p2 =	por !p2, p0  }
0x10f: {  	s6 =	simm.s32 @p2 $0xFFFFFFFF  }
0x110: {  	s6 =	smov.u32 @p0 s8  }
.LBB2_16:
0x111: {  	p0 =	sne.s32 s6, $0xFFFFFFFF  }
.Ltmp13:
0x112: {  	_ = 	snop;
	(pc) =	sbr.rel @!p0 .LBB2_17-.Ltmp13, $1  }
0x113: {  	_ =	sdelay $0x3  }
0x114: {  	v0 =	vld.msk [tilespmem:s4+$0xE0], $0x1;
	v1 =	vmov s6  }
.Ltmp14:
0x115: {  	_ = 	snop;
	(pc) =	sbr.rel .LBB2_19-.Ltmp14, $2  }
0x116: {  	_ =	sdelay $0x2  }
0x117: {  	[tilespmem:v1+s3+$0x0], v0 =	vst.idx.ret.add.f32.msk $0x1, v0  }
.LBB2_20:
0x118: {  	p0 =	slt.s32 s2, $0x1  }
.Ltmp15:
0x119: {  	_ = 	snop;
	(pc) =	sbr.rel @p0 .LBB2_24-.Ltmp15, $3  }
0x11a: {  	_ =	sdelay $0x1  }
0x11b: {  	s0 =	simm.s32 $0x6  }
0x11c: {  	s3 =	simm.s32 $0x0;
	[sflag:s0] =	ssyncpa.u1 $0x1  }
0x11d: {  	s0 =	simm.s32 $0xC0  }
0x11e: {  	v0 =	vld.msk [tilespmem:s0+$0x0], $0x1;
	_ =	sdelay $0x4  }
0x11f: {  	(v2sf) =	vpush v0, $0x0;
	_ =	sdelay $0xe  }
0x120: {  	s2 =	sadd.s32 $0xFFFFFFFF, s2;
	s4 =	spop (v2sf)  }
0x121: {  	p1 =	sne.s32 s2, $0x0;
	p0 =	sgt.u32 s4, $0x63FFFFF  }
.Ltmp16:
0x122: {  	s5 =	sshrl.u32 @!p0 s4, $0x3;
	(pc) =	sbr.rel @!p1 .LBB2_23-.Ltmp16, $4  }
0x123: {  	s0 =	simm.s32 $0xE0;
	s4 =	sand.u32 @!p0 $0x7, s4;
	s5 =	sadd.s32 @!p0 s1, s5  }
0x124: {  	[hbm4b:s5+s4] =	stream.linear.scatter @!p0 [tilespmem:s0], [sflag:$0x5], $0x1, $0x38;
	[tilespmem:$0x11A60] =	vst v63  }
0x125: {  	s5 =	simm.s32 $0x0  }
0x126: {  	s4 =	simm.s32 $0xC1;
	s5 =	simm.s32 @!p0 $0x4  }
.LBB2_22:
0x127: {  	v0 =	vld.msk [tilespmem:s4+$0x0], $0x1;
	s2 =	sadd.s32 $0xFFFFFFFF, s2;
	s3 =	sadd.s32 s3, s5  }
0x128: {  	p0 =	sne.s32 s2, $0x0;
	_ =	sdelay $0x3  }
0x129: {  	(v2sf) =	vpush v0, $0x0;
	_ =	sdelay $0xe  }
.Ltmp17:
0x12a: {  	s6 =	spop (v2sf);
	(pc) =	sbr.rel @p0 .LBB2_22-.Ltmp17, $4  }
0x12b: {  	s5 =	simm.s32 $0x0;
	p1 =	sgt.u32 s6, $0x63FFFFF  }
0x12c: {  	s0 =	sadd.s32 $0x1, s0;
	s5 =	simm.s32 @!p1 $0x4;
	s7 =	sshrl.u32 @!p1 s6, $0x3  }
0x12d: {  	s4 =	sadd.s32 $0x1, s4;
	s6 =	sand.u32 @!p1 $0x7, s6;
	s7 =	sadd.s32 @!p1 s1, s7  }
0x12e: {  	[hbm4b:s7+s6] =	stream.linear.scatter @!p1 [tilespmem:s0], [sflag:$0x5], $0x1, $0x38;
	[tilespmem:$0x11A60] =	vst v63  }
.LBB2_23:
0x12f: {  	s0 =	sadd.s32 s3, s5  }
0x130: {  	s3 =	sshrl.u32 s0, $0x2  }
.LBB2_24:
0x131: {  	s0 =	simm.s32 $0x5  }
0x132: {  	_ =	swait.ge [sflag:s0], s3  }
0x133: {  	s1 =	ssub.s32 $0x0, s3;
	[sflag:s0] =	ssyncset.done $0x0  }
0x134: {  	[sflag:s0] =	ssyncadd.s32 s1  }
0x135: {  	[sflag:s0] =	ssyncpa.u1 $0x1  }
0x136: {  	s29 =	simm.s32 $0x1;
	_ =	sfence  }
0x137: {  	s30 =	simm.s32 $0x2;
	[sflag:s29] =	ssyncpa.u1 $0x1  }
0x138: {  	[sflag:s30] =	ssyncpa.u1 $0x1  }
0x139: {  	_ =	strace $0x90000047  }
0x13a: {  	[bflag:$0x2] =	sbarrier.arrive $0xFFFF  }
0x13b: {  	s31 =	rddreg [dreg:$0x1]  }
0x13c: {  	s0 =	sadd.s32 $0x100000, s31  }
0x13d: {  	[sflag:s0] =	ssyncadd.tile.s32 $0x1;
	_ =	shalt  }
.Lfunc_end2:
_tile_overlayer_lowered:
.L_overlay_start_2:
0x13e: {  	(tag) =	ssettag $0x2  }
0x13f: {  	s0 =	rddreg [dreg:$0x0];
	s2 =	stileid.u32  }
0x140: {  	s1 =	rddreg [dreg:$0x1];
	p0 =	sne.s32 s2, $0x0  }
0x141: {  	s3 =	rddreg [dreg:$0x2];
	[bflag:$0x3] =	sbarrier.arrive $0xFFFF;
	s2 =	simm.s32 @!p0 $0x1C01  }
0x142: {  	[timem:s3], [sflag:s2] =	dma.local @!p0 [hbm:s0], s1  }
0x143: {  	s0 =	simm.s32 @!p0 $0x1  }
0x144: {  	_ =	swait.ge @!p0 [sflag:s0], s1  }
0x145: {  	s1 =	ssub.s32 @!p0 $0x0, s1;
	[sflag:s0] =	ssyncset.done @!p0 $0x0  }
0x146: {  	[sflag:s0] =	ssyncadd.s32 @!p0 s1  }
0x147: {  	[bflag:$0x3] =	sbarrier.arrive $0xFFFF  }
0x148: {  	_ =	shalt  }

</sc_bundles>
